<compile_context>
chip_gen: v7x
topology: tpu7x:2x2x1
jax: 0.10.2.dev20260603
libtpu: 0.0.44.dev20260713+nightly
codegen_flags: <defaults>
</compile_context>

<pallas_src>
import functools

import jax
import jax.numpy as jnp
from jax import lax
from jax.experimental import pallas as pl
from jax.experimental.pallas import tpu as pltpu
from jax.experimental.pallas import tpu_sc as plsc

D = 128
N_RBF = 20
R_CUT = 10.0

_NC = 2
_NS = 16
_CH = 80


def _silu(x):
    return x * jax.nn.sigmoid(x)


def _pick_block(n, target):
    b = min(target, n)
    while n % b:
        b -= 1
    return b


def _node_pre_body(atoms_ref, emb_ref, state_ref):
    atoms = atoms_ref[...]
    n_types = emb_ref.shape[0]
    oh = (atoms == jax.lax.broadcasted_iota(jnp.int32, (1, n_types), 1))
    state_ref[...] = jnp.dot(oh.astype(jnp.float32), emb_ref[...],
                             preferred_element_type=jnp.float32)


def _node_pre(atoms, emb):
    n = atoms.shape[0]
    nb = _pick_block(n, 2000)
    return pl.pallas_call(
        _node_pre_body,
        grid=(n // nb,),
        in_specs=[
            pl.BlockSpec((nb, 1), lambda i: (i, 0)),
            pl.BlockSpec(emb.shape, lambda i: (0, 0)),
        ],
        out_specs=pl.BlockSpec((nb, D), lambda i: (i, 0)),
        out_shape=jax.ShapeDtypeStruct((n, D), jnp.float32),
    )(atoms.reshape(n, 1).astype(jnp.int32), emb)


def _edge_body(diffs_ref, sj_ref, w1_ref, b1_ref, w2_ref, b2_ref,
               wf_ref, bf_ref, m2_ref, dv0_ref, dv1_ref, dv2_ref):
    d = diffs_ref[...]
    r2 = jnp.sum(d * d, axis=1, keepdims=True)
    r = jnp.sqrt(r2)
    rs = jnp.maximum(r, 1e-9)
    h = _silu(jnp.dot(sj_ref[...], w1_ref[...],
                      preferred_element_type=jnp.float32) + b1_ref[...])
    phi = jnp.dot(h, w2_ref[...],
                  preferred_element_type=jnp.float32) + b2_ref[...]
    ns = 1.0 + jax.lax.broadcasted_iota(
        jnp.int32, (1, N_RBF), 1).astype(jnp.float32)
    rbf = jnp.sin(ns * (jnp.pi / R_CUT) * r) / rs
    filt = jnp.dot(rbf, wf_ref[...],
                   preferred_element_type=jnp.float32) + bf_ref[...]
    w = jnp.where(r <= R_CUT, 0.5 * (jnp.cos(r * (jnp.pi / R_CUT)) + 1.0), 0.0)
    prod = phi * (filt * w)
    m2_ref[...] = prod[:, :D]
    m3 = prod[:, D:]
    nrm = d / rs
    dv0_ref[...] = m3 * nrm[:, 0:1]
    dv1_ref[...] = m3 * nrm[:, 1:2]
    dv2_ref[...] = m3 * nrm[:, 2:3]


def _edge_stage(diffs, sj, w1, b1, w2s, b2s, wf, bf):
    e = diffs.shape[0]
    eb = _pick_block(e, 2000)
    return pl.pallas_call(
        _edge_body,
        grid=(e // eb,),
        in_specs=[
            pl.BlockSpec((eb, 3), lambda i: (i, 0)),
            pl.BlockSpec((eb, D), lambda i: (i, 0)),
            pl.BlockSpec(w1.shape, lambda i: (0, 0)),
            pl.BlockSpec(b1.shape, lambda i: (0, 0)),
            pl.BlockSpec(w2s.shape, lambda i: (0, 0)),
            pl.BlockSpec(b2s.shape, lambda i: (0, 0)),
            pl.BlockSpec(wf.shape, lambda i: (0, 0)),
            pl.BlockSpec(bf.shape, lambda i: (0, 0)),
        ],
        out_specs=[pl.BlockSpec((eb, D), lambda i: (i, 0))] * 4,
        out_shape=[jax.ShapeDtypeStruct((e, D), jnp.float32)] * 4,
    )(diffs, sj, w1, b1, w2s, b2s, wf, bf)


def _sc_scatter(node_to, m2, dv0, dv1, dv2, n):
    e = node_to.shape[0]
    half = e // _NC
    per_tile = half // _NS
    n_chunks = per_tile // _CH
    npad = ((n + 8 * _NS - 1) // (8 * _NS)) * (8 * _NS)
    nrows = npad // _NS
    mesh = plsc.VectorSubcoreMesh(core_axis_name="c", subcore_axis_name="s")

    @functools.partial(
        pl.kernel, mesh=mesh,
        out_type=jax.ShapeDtypeStruct((4, _NC, npad, D), jnp.float32),
        scratch_types=[
            pltpu.VMEM_SHARED((npad, D), jnp.float32),
            pltpu.VMEM((_CH,), jnp.int32),
            pltpu.VMEM((_CH, D), jnp.float32),
        ],
    )
    def k(idx_hbm, u0, u1, u2, u3, z_hbm, out_hbm, accum, idx_v, upd_v):
        c = lax.axis_index("c")
        s = lax.axis_index("s")
        row0 = s * nrows
        for sw, u in enumerate((u0, u1, u2, u3)):
            pltpu.sync_copy(z_hbm.at[pl.ds(row0, nrows), :],
                            accum.at[pl.ds(row0, nrows), :])
            plsc.subcore_barrier()
            base0 = c * half + s * per_tile

            def body(i, carry):
                b = base0 + i * _CH
                pltpu.sync_copy(idx_hbm.at[pl.ds(b, _CH)], idx_v)
                pltpu.sync_copy(u.at[pl.ds(b, _CH), :], upd_v)
                pltpu.sync_copy(upd_v, accum.at[idx_v], add=True)
                return carry

            lax.fori_loop(0, n_chunks, body, 0)
            plsc.subcore_barrier()
            pltpu.sync_copy(accum.at[pl.ds(row0, nrows), :],
                            out_hbm.at[sw, c, pl.ds(row0, nrows), :])
            plsc.subcore_barrier()

    return k(node_to.astype(jnp.int32), m2, dv0, dv1, dv2,
             jnp.zeros((npad, D), jnp.float32))


def _node_post_body(state0_ref, acc_ref, ngi_ref, wu_ref, wv_ref,
                    wu1a_ref, wu1b_ref, bu1_ref, wu2_ref, bu2_ref,
                    gs_ref, *, n_graphs):
    acc = acc_ref[...]
    s1 = state0_ref[...] + acc[0] + acc[1]
    wu = wu_ref[...]
    wv = wv_ref[...]
    sv0 = acc[2] + acc[3]
    sv1 = acc[4] + acc[5]
    sv2 = acc[6] + acc[7]
    u0 = jnp.dot(sv0, wu, preferred_element_type=jnp.float32)
    u1 = jnp.dot(sv1, wu, preferred_element_type=jnp.float32)
    u2 = jnp.dot(sv2, wu, preferred_element_type=jnp.float32)
    v0 = jnp.dot(sv0, wv, preferred_element_type=jnp.float32)
    v1 = jnp.dot(sv1, wv, preferred_element_type=jnp.float32)
    v2 = jnp.dot(sv2, wv, preferred_element_type=jnp.float32)
    uv = u0 * v0 + u1 * v1 + u2 * v2
    vn = jnp.sqrt(v0 * v0 + v1 * v1 + v2 * v2)
    a = _silu(jnp.dot(vn, wu1a_ref[...], preferred_element_type=jnp.float32)
              + jnp.dot(s1, wu1b_ref[...], preferred_element_type=jnp.float32)
              + bu1_ref[...])
    a = jnp.dot(a, wu2_ref[...], preferred_element_type=jnp.float32) \
        + bu2_ref[...]
    s2 = s1 + a[:, 2 * D:] + uv * a[:, D:2 * D]
    ngi = ngi_ref[...]
    oh = (ngi == jax.lax.broadcasted_iota(jnp.int32, (1, n_graphs), 1))
    contrib = jax.lax.dot_general(
        oh.astype(jnp.float32), s2, (((0,), (0,)), ((), ())),
        preferred_element_type=jnp.float32)

    @pl.when(pl.program_id(0) == 0)
    def _():
        gs_ref[...] = jnp.zeros_like(gs_ref)

    gs_ref[...] += contrib


def _node_post(state0, acc, ngi, wu, wv, wu1a, wu1b, bu1, wu2, bu2, n_graphs):
    n = state0.shape[0]
    nb = _pick_block(n, 2000)
    body = functools.partial(_node_post_body, n_graphs=n_graphs)
    return pl.pallas_call(
        body,
        grid=(n // nb,),
        in_specs=[
            pl.BlockSpec((nb, D), lambda i: (i, 0)),
            pl.BlockSpec((8, nb, D), lambda i: (0, i, 0)),
            pl.BlockSpec((nb, 1), lambda i: (i, 0)),
            pl.BlockSpec(wu.shape, lambda i: (0, 0)),
            pl.BlockSpec(wv.shape, lambda i: (0, 0)),
            pl.BlockSpec(wu1a.shape, lambda i: (0, 0)),
            pl.BlockSpec(wu1b.shape, lambda i: (0, 0)),
            pl.BlockSpec(bu1.shape, lambda i: (0, 0)),
            pl.BlockSpec(wu2.shape, lambda i: (0, 0)),
            pl.BlockSpec(bu2.shape, lambda i: (0, 0)),
        ],
        out_specs=pl.BlockSpec((n_graphs, D), lambda i: (0, 0)),
        out_shape=jax.ShapeDtypeStruct((n_graphs, D), jnp.float32),
    )(state0, acc, ngi.reshape(n, 1).astype(jnp.int32),
      wu, wv, wu1a, wu1b, bu1, wu2, bu2)


def _out_body(gs_ref, wo1_ref, bo1_ref, wo2_ref, bo2_ref, out_ref):
    h = _silu(gs_ref[...] @ wo1_ref[...] + bo1_ref[...])
    out_ref[...] = h @ wo2_ref[...] + bo2_ref[...]


def _out_mlp(gs, wo1, bo1, wo2, bo2):
    g = gs.shape[0]
    odim = wo2.shape[1]
    return pl.pallas_call(
        _out_body,
        out_shape=jax.ShapeDtypeStruct((g, odim), jnp.float32),
    )(gs, wo1, bo1, wo2, bo2)


def kernel(node_atoms, node_graph_index, edge_index, edge_vector_diffs,
           embedding, W_phi1, b_phi1, W_phi2, b_phi2, W_filt, b_filt,
           W_u1, b_u1, W_u2, b_u2, W_out1, b_out1, W_out2, b_out2, W_U, W_V):
    n = node_atoms.shape[0]
    n_graphs = 64
    node_to = edge_index[0]
    node_from = edge_index[1]

    state0 = _node_pre(node_atoms, embedding)
    sj = jnp.take(state0, node_from, axis=0, mode="clip")
    m2, dv0, dv1, dv2 = _edge_stage(
        edge_vector_diffs, sj, W_phi1, b_phi1.reshape(1, D),
        W_phi2[:, D:], b_phi2[D:].reshape(1, 2 * D),
        W_filt[:, D:], b_filt[D:].reshape(1, 2 * D))

    acc = _sc_scatter(node_to, m2, dv0, dv1, dv2, n)
    acc = acc.reshape(8, acc.shape[2], D)[:, :n]

    gs = _node_post(
        state0, acc, node_graph_index, W_U, W_V,
        W_u1[:D], W_u1[D:], b_u1.reshape(1, D), W_u2,
        b_u2.reshape(1, 3 * D), n_graphs)

    out = _out_mlp(gs, W_out1, b_out1.reshape(1, D), W_out2,
                   b_out2.reshape(1, -1))
    return out.reshape(-1)

# --- scband reference (transcript-rebuilt; emitter-appended) ---
"""Pipeline reference for scband-painn-30571577213715 (READ-ONLY COPY).

The authoritative reference and input builder live on the scoring server;
editing this copy changes nothing except your own understanding.
"""

import jax, jax.numpy as jnp
import numpy as np

STATE_DIM = 128
N_RBF = 20
R_CUT = 10.0
NUM_PHYS = 3
N_NODES = 10000
N_EDGES = 320000
N_GRAPHS = 64
N_ATOM_TYPES = 100
OUTPUT_DIM = 1
NUM_ROUNDS = 1


def _lin(k, fan_in, fan_out):
    s = 1.0 / np.sqrt(fan_in)
    return jax.random.uniform(k, (fan_in, fan_out), minval=-s, maxval=s, dtype=jnp.float32)


def _bias(k, fan_in, fan_out):
    s = 1.0 / np.sqrt(fan_in)
    return jax.random.uniform(k, (fan_out,), minval=-s, maxval=s, dtype=jnp.float32)


def setup_inputs(seed=0):
    key = jax.random.key(seed)
    ks = jax.random.split(key, 24)
    D = STATE_DIM
    return {
        "node_atoms": jax.random.randint(ks[0], (N_NODES,), 0, N_ATOM_TYPES),
        "node_graph_index": jnp.sort(jax.random.randint(ks[1], (N_NODES,), 0, N_GRAPHS)),
        "edge_index": jax.random.randint(ks[2], (2, N_EDGES), 0, N_NODES),
        "edge_vector_diffs": 4.0 * jax.random.normal(ks[3], (N_EDGES, NUM_PHYS), dtype=jnp.float32),
        "embedding": jax.random.normal(ks[4], (N_ATOM_TYPES, D), dtype=jnp.float32),
        "W_phi1": _lin(ks[5], D, D), "b_phi1": _bias(ks[6], D, D),
        "W_phi2": _lin(ks[7], D, 3 * D), "b_phi2": _bias(ks[8], D, 3 * D),
        "W_filt": _lin(ks[9], N_RBF, 3 * D), "b_filt": _bias(ks[10], N_RBF, 3 * D),
        "W_u1": _lin(ks[11], 2 * D, D), "b_u1": _bias(ks[12], 2 * D, D),
        "W_u2": _lin(ks[13], D, 3 * D), "b_u2": _bias(ks[14], D, 3 * D),
        "W_out1": _lin(ks[15], D, D), "b_out1": _bias(ks[16], D, D),
        "W_out2": _lin(ks[17], D, OUTPUT_DIM), "b_out2": _bias(ks[18], D, OUTPUT_DIM),
        "W_U": _lin(ks[19], D, D),
        "W_V": _lin(ks[20], D, D),
    }


def _silu(x):
    return x * jax.nn.sigmoid(x)


def _rbf(r):
    ns = jnp.arange(1, N_RBF + 1, dtype=jnp.float32)
    return jnp.sin(ns[None, :] * jnp.pi * r[:, None] / R_CUT) / jnp.maximum(r[:, None], 1e-9)


def _cutoff(r):
    return jnp.where(r <= R_CUT, 0.5 * (jnp.cos(jnp.pi * r / R_CUT) + 1.0), 0.0)


def _painn(node_atoms, node_graph_index, edge_index, edge_vector_diffs, embedding, W_phi1, b_phi1, W_phi2, b_phi2, W_filt, b_filt, W_u1, b_u1, W_u2, b_u2, W_out1, b_out1, W_out2, b_out2, W_U, W_V):
    D = STATE_DIM
    node_to = edge_index[0]
    node_from = edge_index[1]
    r = jnp.linalg.norm(edge_vector_diffs, axis=1)
    nbr_mask = (r <= R_CUT).astype(jnp.float32)
    state = jnp.take(embedding, node_atoms, axis=0)
    state_vec = jnp.zeros((N_NODES, NUM_PHYS, D), dtype=jnp.float32)
    for _ in range(NUM_ROUNDS):
        # --- message block (vectorized over edges) ---
        s_j = jnp.take(state, node_from, axis=0)
        phi = _silu(s_j @ W_phi1 + b_phi1) @ W_phi2 + b_phi2
        filt = _rbf(r) @ W_filt + b_filt
        W_e = filt * _cutoff(r)[:, None]
        prod = phi * W_e * nbr_mask[:, None]
        m1 = prod[:, :D]
        m2 = prod[:, D:2 * D]
        m3 = prod[:, 2 * D:]
        normalized = edge_vector_diffs / jnp.maximum(r, 1e-9)[:, None]
        v_j = jnp.take(state_vec, node_from, axis=0)
        dv = v_j * m1[:, None, :] + normalized[:, :, None] * m3[:, None, :]
        state = state.at[node_to].add(m2)
        state_vec = state_vec.at[node_to].add(dv)
        # --- update block (vectorized over nodes) ---
        U = state_vec @ W_U
        V = state_vec @ W_V
        UV = jnp.sum(U * V, axis=1)
        V_norm = jnp.linalg.norm(V, axis=1)
        a = _silu(jnp.concatenate([V_norm, state], axis=1) @ W_u1 + b_u1) @ W_u2 + b_u2
        a_vv = a[:, :D]
        a_sv = a[:, D:2 * D]
        a_ss = a[:, 2 * D:]
        state = state + a_ss + UV * a_sv
        state_vec = state_vec + U * a_vv[:, None, :]
    graph_state = jax.ops.segment_sum(state, node_graph_index, num_segments=N_GRAPHS)
    out = (_silu(graph_state @ W_out1 + b_out1) @ W_out2 + b_out2).reshape(-1)
    return out


def reference(node_atoms, node_graph_index, edge_index, edge_vector_diffs, embedding, W_phi1, b_phi1, W_phi2, b_phi2, W_filt, b_filt, W_u1, b_u1, W_u2, b_u2, W_out1, b_out1, W_out2, b_out2, W_U, W_V):
    return _painn(
        node_atoms=node_atoms,
        node_graph_index=node_graph_index,
        edge_index=edge_index,
        edge_vector_diffs=edge_vector_diffs,
        embedding=embedding,
        W_phi1=W_phi1, b_phi1=b_phi1,
        W_phi2=W_phi2, b_phi2=b_phi2,
        W_filt=W_filt, b_filt=b_filt,
        W_u1=W_u1, b_u1=b_u1,
        W_u2=W_u2, b_u2=b_u2,
        W_out1=W_out1, b_out1=b_out1,
        W_out2=W_out2, b_out2=b_out2,
        W_U=W_U,
        W_V=W_V,
    )

if __name__ == "__main__":
    import jax
    _d = setup_inputs()
    print(jax.jit(kernel)(*tuple(_d.values())))

</pallas_src>

<mosaic_0001>
#map = affine_map<(d0, d1) -> (0)>
#map1 = affine_map<(d0, d1) -> (0, 0)>
#map2 = affine_map<(d0, d1) -> (0, 0, 0, 0)>
module attributes {stable_mosaic.version = 14 : i64} {
  func.func @k(%arg0: i32, %arg1: i32, %arg2: memref<320000xi32, #tpu.memory_space<hbm>>, %arg3: memref<320000x128xf32, #tpu.memory_space<hbm>>, %arg4: memref<320000x128xf32, #tpu.memory_space<hbm>>, %arg5: memref<320000x128xf32, #tpu.memory_space<hbm>>, %arg6: memref<320000x128xf32, #tpu.memory_space<hbm>>, %arg7: memref<10112x128xf32, #tpu.memory_space<hbm>>, %arg8: memref<4x2x10112x128xf32, #tpu.memory_space<hbm>>, %arg9: memref<10112x128xf32, #tpu.memory_space<vmem_shared>>, %arg10: memref<80xi32, #tpu.memory_space<vmem>>, %arg11: memref<80x128xf32, #tpu.memory_space<vmem>>) attributes {dimension_semantics = [#tpu.dimension_semantics<core_parallel>, #tpu.dimension_semantics<subcore_parallel>], iteration_bounds = array<i64: 2, 16>, scalar_prefetch = 0 : i64, scratch_operands = 3 : i64, tpu.core_type = #tpu.core_type<sc_vector_subcore>, window_params = [{transform_indices = #map}, {transform_indices = #map1}, {transform_indices = #map1}, {transform_indices = #map1}, {transform_indices = #map1}, {transform_indices = #map1}, {transform_indices = #map2}]} {
    %mul3A = arith.constant 632 : i32
    %mul3A_0 = arith.muli %arg1, %mul3A : i32
    "tpu.region"() ({
      %run_scoped3A_57 = tpu.sem_alloc : memref<!tpu.dma_semaphore, #tpu.memory_space<semaphore_mem>>
      %dma_start3A = arith.constant 0 : i32
      %dma_start3A_58 = tpu.memref_slice %arg9[%mul3A_0, %dma_start3A] : memref<10112x128xf32, #tpu.memory_space<vmem_shared>> -> memref<632x128xf32, #tpu.memory_space<vmem_shared>>
      %dma_start3A_59 = arith.constant 0 : i32
      %dma_start3A_60 = tpu.memref_slice %arg7[%mul3A_0, %dma_start3A_59] : memref<10112x128xf32, #tpu.memory_space<hbm>> -> memref<632x128xf32, #tpu.memory_space<hbm>>
      tpu.enqueue_dma source(%dma_start3A_60 : memref<632x128xf32, #tpu.memory_space<hbm>>) target(%dma_start3A_58 : memref<632x128xf32, #tpu.memory_space<vmem_shared>>) target_semaphore(%run_scoped3A_57 : memref<!tpu.dma_semaphore, #tpu.memory_space<semaphore_mem>>)
      %dma_wait3A = arith.constant 0 : i32
      %dma_wait3A_61 = tpu.memref_slice %arg9[%mul3A_0, %dma_wait3A] : memref<10112x128xf32, #tpu.memory_space<vmem_shared>> -> memref<632x128xf32, #tpu.memory_space<vmem_shared>>
      %dma_wait3A_62 = arith.constant 0 : i32
      %dma_wait3A_63 = tpu.memref_slice %arg7[%mul3A_0, %dma_wait3A_62] : memref<10112x128xf32, #tpu.memory_space<hbm>> -> memref<632x128xf32, #tpu.memory_space<hbm>>
      tpu.wait_dma2 semaphore(%run_scoped3A_57 : memref<!tpu.dma_semaphore, #tpu.memory_space<semaphore_mem>>) src(%dma_wait3A_63 : memref<632x128xf32, #tpu.memory_space<hbm>>) dst(%dma_wait3A_61 : memref<632x128xf32, #tpu.memory_space<vmem_shared>>)
      tpu.yield
    }) : () -> ()
    %barrier3A = arith.constant 0 : index
    tpu.barrier barrier_id(%barrier3A)
    %mul3A_1 = arith.constant 160000 : i32
    %mul3A_2 = arith.muli %arg0, %mul3A_1 : i32
    %mul3A_3 = arith.constant 10000 : i32
    %mul3A_4 = arith.muli %arg1, %mul3A_3 : i32
    %add3A = arith.addi %mul3A_2, %mul3A_4 : i32
    %scan3A = arith.constant 0 : i32
    %scan3A_5 = arith.constant 0 : i32
    %scan3A_6 = arith.constant 125 : i32
    %scan3A_7 = arith.addi %scan3A_5, %scan3A_6 : i32
    %scan3A_8 = arith.constant 1 : i32
    scf.for %scan3A_57 = %scan3A_5 to %scan3A_7 step %scan3A_8  : i32 {
      %mul3A_58 = arith.constant 80 : i32
      %mul3A_59 = arith.muli %scan3A_57, %mul3A_58 : i32
      %add3A_60 = arith.addi %add3A, %mul3A_59 : i32
      "tpu.region"() ({
        %run_scoped3A_61 = tpu.sem_alloc : memref<!tpu.dma_semaphore, #tpu.memory_space<semaphore_mem>>
        %dma_start3A = tpu.memref_slice %arg2[%add3A_60] : memref<320000xi32, #tpu.memory_space<hbm>> -> memref<80xi32, #tpu.memory_space<hbm>>
        %dma_start3A_62 = tpu.memref_slice %arg2[%add3A_60] : memref<320000xi32, #tpu.memory_space<hbm>> -> memref<80xi32, #tpu.memory_space<hbm>>
        tpu.enqueue_dma source(%dma_start3A_62 : memref<80xi32, #tpu.memory_space<hbm>>) target(%arg10 : memref<80xi32, #tpu.memory_space<vmem>>) target_semaphore(%run_scoped3A_61 : memref<!tpu.dma_semaphore, #tpu.memory_space<semaphore_mem>>)
        %dma_wait3A = tpu.memref_slice %arg2[%add3A_60] : memref<320000xi32, #tpu.memory_space<hbm>> -> memref<80xi32, #tpu.memory_space<hbm>>
        %dma_wait3A_63 = tpu.memref_slice %arg2[%add3A_60] : memref<320000xi32, #tpu.memory_space<hbm>> -> memref<80xi32, #tpu.memory_space<hbm>>
        tpu.wait_dma2 semaphore(%run_scoped3A_61 : memref<!tpu.dma_semaphore, #tpu.memory_space<semaphore_mem>>) src(%dma_wait3A_63 : memref<80xi32, #tpu.memory_space<hbm>>) dst(%arg10 : memref<80xi32, #tpu.memory_space<vmem>>)
        tpu.yield
      }) : () -> ()
      "tpu.region"() ({
        %run_scoped3A_61 = tpu.sem_alloc : memref<!tpu.dma_semaphore, #tpu.memory_space<semaphore_mem>>
        %dma_start3A = arith.constant 0 : i32
        %dma_start3A_62 = tpu.memref_slice %arg3[%add3A_60, %dma_start3A] : memref<320000x128xf32, #tpu.memory_space<hbm>> -> memref<80x128xf32, #tpu.memory_space<hbm>>
        %dma_start3A_63 = arith.constant 0 : i32
        %dma_start3A_64 = tpu.memref_slice %arg3[%add3A_60, %dma_start3A_63] : memref<320000x128xf32, #tpu.memory_space<hbm>> -> memref<80x128xf32, #tpu.memory_space<hbm>>
        tpu.enqueue_dma source(%dma_start3A_64 : memref<80x128xf32, #tpu.memory_space<hbm>>) target(%arg11 : memref<80x128xf32, #tpu.memory_space<vmem>>) target_semaphore(%run_scoped3A_61 : memref<!tpu.dma_semaphore, #tpu.memory_space<semaphore_mem>>)
        %dma_wait3A = arith.constant 0 : i32
        %dma_wait3A_65 = tpu.memref_slice %arg3[%add3A_60, %dma_wait3A] : memref<320000x128xf32, #tpu.memory_space<hbm>> -> memref<80x128xf32, #tpu.memory_space<hbm>>
        %dma_wait3A_66 = arith.constant 0 : i32
        %dma_wait3A_67 = tpu.memref_slice %arg3[%add3A_60, %dma_wait3A_66] : memref<320000x128xf32, #tpu.memory_space<hbm>> -> memref<80x128xf32, #tpu.memory_space<hbm>>
        tpu.wait_dma2 semaphore(%run_scoped3A_61 : memref<!tpu.dma_semaphore, #tpu.memory_space<semaphore_mem>>) src(%dma_wait3A_67 : memref<80x128xf32, #tpu.memory_space<hbm>>) dst(%arg11 : memref<80x128xf32, #tpu.memory_space<vmem>>)
        tpu.yield
      }) : () -> ()
      "tpu.region"() ({
        %run_scoped3A_61 = tpu.sem_alloc : memref<!tpu.dma_semaphore, #tpu.memory_space<semaphore_mem>>
        %dma_start3A = arith.constant 0 : i32
        %dma_start3A_62 = arith.constant 0 : i32
        %dma_start3A_63 = tpu.memref_slice %arg9[%dma_start3A, %dma_start3A_62] : memref<10112x128xf32, #tpu.memory_space<vmem_shared>> -> memref<10112x128xf32, #tpu.memory_space<vmem_shared>>
        tpu.enqueue_indirect_dma source(%arg11 : memref<80x128xf32, #tpu.memory_space<vmem>>) target(%dma_start3A_63 : memref<10112x128xf32, #tpu.memory_space<vmem_shared>>) offsets(%arg10 : memref<80xi32, #tpu.memory_space<vmem>>) semaphore(%run_scoped3A_61 : memref<!tpu.dma_semaphore, #tpu.memory_space<semaphore_mem>>) {add = true}
        %dma_wait3A = arith.constant 0 : i32
        %dma_wait3A_64 = arith.constant 0 : i32
        %dma_wait3A_65 = tpu.memref_slice %arg9[%dma_wait3A, %dma_wait3A_64] : memref<10112x128xf32, #tpu.memory_space<vmem_shared>> -> memref<10112x128xf32, #tpu.memory_space<vmem_shared>>
        tpu.wait_indirect_dma semaphore(%run_scoped3A_61 : memref<!tpu.dma_semaphore, #tpu.memory_space<semaphore_mem>>) src(%arg11 : memref<80x128xf32, #tpu.memory_space<vmem>>) dst(%dma_wait3A_65 : memref<10112x128xf32, #tpu.memory_space<vmem_shared>>)
        tpu.yield
      }) : () -> ()
    }
    %scan3A_9 = arith.constant 125 : i32
    %barrier3A_10 = arith.constant 0 : index
    tpu.barrier barrier_id(%barrier3A_10)
    %run_scoped3A = arith.constant 0 : i32
    "tpu.region"() ({
      %run_scoped3A_57 = tpu.sem_alloc : memref<!tpu.dma_semaphore, #tpu.memory_space<semaphore_mem>>
      %dma_start3A = arith.constant 0 : i32
      %dma_start3A_58 = tpu.memref_slice %arg8[%run_scoped3A, %arg0, %mul3A_0, %dma_start3A] : memref<4x2x10112x128xf32, #tpu.memory_space<hbm>> -> memref<1x1x632x128xf32, #tpu.memory_space<hbm>>
      %dma_start3A_59 = tpu.memref_squeeze %dma_start3A_58 : memref<1x1x632x128xf32, #tpu.memory_space<hbm>> -> memref<632x128xf32, #tpu.memory_space<hbm>>
      %dma_start3A_60 = arith.constant 0 : i32
      %dma_start3A_61 = tpu.memref_slice %arg9[%mul3A_0, %dma_start3A_60] : memref<10112x128xf32, #tpu.memory_space<vmem_shared>> -> memref<632x128xf32, #tpu.memory_space<vmem_shared>>
      tpu.enqueue_dma source(%dma_start3A_61 : memref<632x128xf32, #tpu.memory_space<vmem_shared>>) target(%dma_start3A_59 : memref<632x128xf32, #tpu.memory_space<hbm>>) target_semaphore(%run_scoped3A_57 : memref<!tpu.dma_semaphore, #tpu.memory_space<semaphore_mem>>)
      %dma_wait3A = arith.constant 0 : i32
      %dma_wait3A_62 = tpu.memref_slice %arg8[%run_scoped3A, %arg0, %mul3A_0, %dma_wait3A] : memref<4x2x10112x128xf32, #tpu.memory_space<hbm>> -> memref<1x1x632x128xf32, #tpu.memory_space<hbm>>
      %dma_wait3A_63 = tpu.memref_squeeze %dma_wait3A_62 : memref<1x1x632x128xf32, #tpu.memory_space<hbm>> -> memref<632x128xf32, #tpu.memory_space<hbm>>
      %dma_wait3A_64 = arith.constant 0 : i32
      %dma_wait3A_65 = tpu.memref_slice %arg9[%mul3A_0, %dma_wait3A_64] : memref<10112x128xf32, #tpu.memory_space<vmem_shared>> -> memref<632x128xf32, #tpu.memory_space<vmem_shared>>
      tpu.wait_dma2 semaphore(%run_scoped3A_57 : memref<!tpu.dma_semaphore, #tpu.memory_space<semaphore_mem>>) src(%dma_wait3A_65 : memref<632x128xf32, #tpu.memory_space<vmem_shared>>) dst(%dma_wait3A_63 : memref<632x128xf32, #tpu.memory_space<hbm>>)
      tpu.yield
    }) : () -> ()
    %barrier3A_11 = arith.constant 0 : index
    tpu.barrier barrier_id(%barrier3A_11)
    "tpu.region"() ({
      %run_scoped3A_57 = tpu.sem_alloc : memref<!tpu.dma_semaphore, #tpu.memory_space<semaphore_mem>>
      %dma_start3A = arith.constant 0 : i32
      %dma_start3A_58 = tpu.memref_slice %arg9[%mul3A_0, %dma_start3A] : memref<10112x128xf32, #tpu.memory_space<vmem_shared>> -> memref<632x128xf32, #tpu.memory_space<vmem_shared>>
      %dma_start3A_59 = arith.constant 0 : i32
      %dma_start3A_60 = tpu.memref_slice %arg7[%mul3A_0, %dma_start3A_59] : memref<10112x128xf32, #tpu.memory_space<hbm>> -> memref<632x128xf32, #tpu.memory_space<hbm>>
      tpu.enqueue_dma source(%dma_start3A_60 : memref<632x128xf32, #tpu.memory_space<hbm>>) target(%dma_start3A_58 : memref<632x128xf32, #tpu.memory_space<vmem_shared>>) target_semaphore(%run_scoped3A_57 : memref<!tpu.dma_semaphore, #tpu.memory_space<semaphore_mem>>)
      %dma_wait3A = arith.constant 0 : i32
      %dma_wait3A_61 = tpu.memref_slice %arg9[%mul3A_0, %dma_wait3A] : memref<10112x128xf32, #tpu.memory_space<vmem_shared>> -> memref<632x128xf32, #tpu.memory_space<vmem_shared>>
      %dma_wait3A_62 = arith.constant 0 : i32
      %dma_wait3A_63 = tpu.memref_slice %arg7[%mul3A_0, %dma_wait3A_62] : memref<10112x128xf32, #tpu.memory_space<hbm>> -> memref<632x128xf32, #tpu.memory_space<hbm>>
      tpu.wait_dma2 semaphore(%run_scoped3A_57 : memref<!tpu.dma_semaphore, #tpu.memory_space<semaphore_mem>>) src(%dma_wait3A_63 : memref<632x128xf32, #tpu.memory_space<hbm>>) dst(%dma_wait3A_61 : memref<632x128xf32, #tpu.memory_space<vmem_shared>>)
      tpu.yield
    }) : () -> ()
    %barrier3A_12 = arith.constant 0 : index
    tpu.barrier barrier_id(%barrier3A_12)
    %mul3A_13 = arith.constant 160000 : i32
    %mul3A_14 = arith.muli %arg0, %mul3A_13 : i32
    %mul3A_15 = arith.constant 10000 : i32
    %mul3A_16 = arith.muli %arg1, %mul3A_15 : i32
    %add3A_17 = arith.addi %mul3A_14, %mul3A_16 : i32
    %scan3A_18 = arith.constant 0 : i32
    %scan3A_19 = arith.constant 0 : i32
    %scan3A_20 = arith.constant 125 : i32
    %scan3A_21 = arith.addi %scan3A_19, %scan3A_20 : i32
    %scan3A_22 = arith.constant 1 : i32
    scf.for %scan3A_57 = %scan3A_19 to %scan3A_21 step %scan3A_22  : i32 {
      %mul3A_58 = arith.constant 80 : i32
      %mul3A_59 = arith.muli %scan3A_57, %mul3A_58 : i32
      %add3A_60 = arith.addi %add3A_17, %mul3A_59 : i32
      "tpu.region"() ({
        %run_scoped3A_61 = tpu.sem_alloc : memref<!tpu.dma_semaphore, #tpu.memory_space<semaphore_mem>>
        %dma_start3A = tpu.memref_slice %arg2[%add3A_60] : memref<320000xi32, #tpu.memory_space<hbm>> -> memref<80xi32, #tpu.memory_space<hbm>>
        %dma_start3A_62 = tpu.memref_slice %arg2[%add3A_60] : memref<320000xi32, #tpu.memory_space<hbm>> -> memref<80xi32, #tpu.memory_space<hbm>>
        tpu.enqueue_dma source(%dma_start3A_62 : memref<80xi32, #tpu.memory_space<hbm>>) target(%arg10 : memref<80xi32, #tpu.memory_space<vmem>>) target_semaphore(%run_scoped3A_61 : memref<!tpu.dma_semaphore, #tpu.memory_space<semaphore_mem>>)
        %dma_wait3A = tpu.memref_slice %arg2[%add3A_60] : memref<320000xi32, #tpu.memory_space<hbm>> -> memref<80xi32, #tpu.memory_space<hbm>>
        %dma_wait3A_63 = tpu.memref_slice %arg2[%add3A_60] : memref<320000xi32, #tpu.memory_space<hbm>> -> memref<80xi32, #tpu.memory_space<hbm>>
        tpu.wait_dma2 semaphore(%run_scoped3A_61 : memref<!tpu.dma_semaphore, #tpu.memory_space<semaphore_mem>>) src(%dma_wait3A_63 : memref<80xi32, #tpu.memory_space<hbm>>) dst(%arg10 : memref<80xi32, #tpu.memory_space<vmem>>)
        tpu.yield
      }) : () -> ()
      "tpu.region"() ({
        %run_scoped3A_61 = tpu.sem_alloc : memref<!tpu.dma_semaphore, #tpu.memory_space<semaphore_mem>>
        %dma_start3A = arith.constant 0 : i32
        %dma_start3A_62 = tpu.memref_slice %arg4[%add3A_60, %dma_start3A] : memref<320000x128xf32, #tpu.memory_space<hbm>> -> memref<80x128xf32, #tpu.memory_space<hbm>>
        %dma_start3A_63 = arith.constant 0 : i32
        %dma_start3A_64 = tpu.memref_slice %arg4[%add3A_60, %dma_start3A_63] : memref<320000x128xf32, #tpu.memory_space<hbm>> -> memref<80x128xf32, #tpu.memory_space<hbm>>
        tpu.enqueue_dma source(%dma_start3A_64 : memref<80x128xf32, #tpu.memory_space<hbm>>) target(%arg11 : memref<80x128xf32, #tpu.memory_space<vmem>>) target_semaphore(%run_scoped3A_61 : memref<!tpu.dma_semaphore, #tpu.memory_space<semaphore_mem>>)
        %dma_wait3A = arith.constant 0 : i32
        %dma_wait3A_65 = tpu.memref_slice %arg4[%add3A_60, %dma_wait3A] : memref<320000x128xf32, #tpu.memory_space<hbm>> -> memref<80x128xf32, #tpu.memory_space<hbm>>
        %dma_wait3A_66 = arith.constant 0 : i32
        %dma_wait3A_67 = tpu.memref_slice %arg4[%add3A_60, %dma_wait3A_66] : memref<320000x128xf32, #tpu.memory_space<hbm>> -> memref<80x128xf32, #tpu.memory_space<hbm>>
        tpu.wait_dma2 semaphore(%run_scoped3A_61 : memref<!tpu.dma_semaphore, #tpu.memory_space<semaphore_mem>>) src(%dma_wait3A_67 : memref<80x128xf32, #tpu.memory_space<hbm>>) dst(%arg11 : memref<80x128xf32, #tpu.memory_space<vmem>>)
        tpu.yield
      }) : () -> ()
      "tpu.region"() ({
        %run_scoped3A_61 = tpu.sem_alloc : memref<!tpu.dma_semaphore, #tpu.memory_space<semaphore_mem>>
        %dma_start3A = arith.constant 0 : i32
        %dma_start3A_62 = arith.constant 0 : i32
        %dma_start3A_63 = tpu.memref_slice %arg9[%dma_start3A, %dma_start3A_62] : memref<10112x128xf32, #tpu.memory_space<vmem_shared>> -> memref<10112x128xf32, #tpu.memory_space<vmem_shared>>
        tpu.enqueue_indirect_dma source(%arg11 : memref<80x128xf32, #tpu.memory_space<vmem>>) target(%dma_start3A_63 : memref<10112x128xf32, #tpu.memory_space<vmem_shared>>) offsets(%arg10 : memref<80xi32, #tpu.memory_space<vmem>>) semaphore(%run_scoped3A_61 : memref<!tpu.dma_semaphore, #tpu.memory_space<semaphore_mem>>) {add = true}
        %dma_wait3A = arith.constant 0 : i32
        %dma_wait3A_64 = arith.constant 0 : i32
        %dma_wait3A_65 = tpu.memref_slice %arg9[%dma_wait3A, %dma_wait3A_64] : memref<10112x128xf32, #tpu.memory_space<vmem_shared>> -> memref<10112x128xf32, #tpu.memory_space<vmem_shared>>
        tpu.wait_indirect_dma semaphore(%run_scoped3A_61 : memref<!tpu.dma_semaphore, #tpu.memory_space<semaphore_mem>>) src(%arg11 : memref<80x128xf32, #tpu.memory_space<vmem>>) dst(%dma_wait3A_65 : memref<10112x128xf32, #tpu.memory_space<vmem_shared>>)
        tpu.yield
      }) : () -> ()
    }
    %scan3A_23 = arith.constant 125 : i32
    %barrier3A_24 = arith.constant 0 : index
    tpu.barrier barrier_id(%barrier3A_24)
    %run_scoped3A_25 = arith.constant 1 : i32
    "tpu.region"() ({
      %run_scoped3A_57 = tpu.sem_alloc : memref<!tpu.dma_semaphore, #tpu.memory_space<semaphore_mem>>
      %dma_start3A = arith.constant 0 : i32
      %dma_start3A_58 = tpu.memref_slice %arg8[%run_scoped3A_25, %arg0, %mul3A_0, %dma_start3A] : memref<4x2x10112x128xf32, #tpu.memory_space<hbm>> -> memref<1x1x632x128xf32, #tpu.memory_space<hbm>>
      %dma_start3A_59 = tpu.memref_squeeze %dma_start3A_58 : memref<1x1x632x128xf32, #tpu.memory_space<hbm>> -> memref<632x128xf32, #tpu.memory_space<hbm>>
      %dma_start3A_60 = arith.constant 0 : i32
      %dma_start3A_61 = tpu.memref_slice %arg9[%mul3A_0, %dma_start3A_60] : memref<10112x128xf32, #tpu.memory_space<vmem_shared>> -> memref<632x128xf32, #tpu.memory_space<vmem_shared>>
      tpu.enqueue_dma source(%dma_start3A_61 : memref<632x128xf32, #tpu.memory_space<vmem_shared>>) target(%dma_start3A_59 : memref<632x128xf32, #tpu.memory_space<hbm>>) target_semaphore(%run_scoped3A_57 : memref<!tpu.dma_semaphore, #tpu.memory_space<semaphore_mem>>)
      %dma_wait3A = arith.constant 0 : i32
      %dma_wait3A_62 = tpu.memref_slice %arg8[%run_scoped3A_25, %arg0, %mul3A_0, %dma_wait3A] : memref<4x2x10112x128xf32, #tpu.memory_space<hbm>> -> memref<1x1x632x128xf32, #tpu.memory_space<hbm>>
      %dma_wait3A_63 = tpu.memref_squeeze %dma_wait3A_62 : memref<1x1x632x128xf32, #tpu.memory_space<hbm>> -> memref<632x128xf32, #tpu.memory_space<hbm>>
      %dma_wait3A_64 = arith.constant 0 : i32
      %dma_wait3A_65 = tpu.memref_slice %arg9[%mul3A_0, %dma_wait3A_64] : memref<10112x128xf32, #tpu.memory_space<vmem_shared>> -> memref<632x128xf32, #tpu.memory_space<vmem_shared>>
      tpu.wait_dma2 semaphore(%run_scoped3A_57 : memref<!tpu.dma_semaphore, #tpu.memory_space<semaphore_mem>>) src(%dma_wait3A_65 : memref<632x128xf32, #tpu.memory_space<vmem_shared>>) dst(%dma_wait3A_63 : memref<632x128xf32, #tpu.memory_space<hbm>>)
      tpu.yield
    }) : () -> ()
    %barrier3A_26 = arith.constant 0 : index
    tpu.barrier barrier_id(%barrier3A_26)
    "tpu.region"() ({
      %run_scoped3A_57 = tpu.sem_alloc : memref<!tpu.dma_semaphore, #tpu.memory_space<semaphore_mem>>
      %dma_start3A = arith.constant 0 : i32
      %dma_start3A_58 = tpu.memref_slice %arg9[%mul3A_0, %dma_start3A] : memref<10112x128xf32, #tpu.memory_space<vmem_shared>> -> memref<632x128xf32, #tpu.memory_space<vmem_shared>>
      %dma_start3A_59 = arith.constant 0 : i32
      %dma_start3A_60 = tpu.memref_slice %arg7[%mul3A_0, %dma_start3A_59] : memref<10112x128xf32, #tpu.memory_space<hbm>> -> memref<632x128xf32, #tpu.memory_space<hbm>>
      tpu.enqueue_dma source(%dma_start3A_60 : memref<632x128xf32, #tpu.memory_space<hbm>>) target(%dma_start3A_58 : memref<632x128xf32, #tpu.memory_space<vmem_shared>>) target_semaphore(%run_scoped3A_57 : memref<!tpu.dma_semaphore, #tpu.memory_space<semaphore_mem>>)
      %dma_wait3A = arith.constant 0 : i32
      %dma_wait3A_61 = tpu.memref_slice %arg9[%mul3A_0, %dma_wait3A] : memref<10112x128xf32, #tpu.memory_space<vmem_shared>> -> memref<632x128xf32, #tpu.memory_space<vmem_shared>>
      %dma_wait3A_62 = arith.constant 0 : i32
      %dma_wait3A_63 = tpu.memref_slice %arg7[%mul3A_0, %dma_wait3A_62] : memref<10112x128xf32, #tpu.memory_space<hbm>> -> memref<632x128xf32, #tpu.memory_space<hbm>>
      tpu.wait_dma2 semaphore(%run_scoped3A_57 : memref<!tpu.dma_semaphore, #tpu.memory_space<semaphore_mem>>) src(%dma_wait3A_63 : memref<632x128xf32, #tpu.memory_space<hbm>>) dst(%dma_wait3A_61 : memref<632x128xf32, #tpu.memory_space<vmem_shared>>)
      tpu.yield
    }) : () -> ()
    %barrier3A_27 = arith.constant 0 : index
    tpu.barrier barrier_id(%barrier3A_27)
    %mul3A_28 = arith.constant 160000 : i32
    %mul3A_29 = arith.muli %arg0, %mul3A_28 : i32
    %mul3A_30 = arith.constant 10000 : i32
    %mul3A_31 = arith.muli %arg1, %mul3A_30 : i32
    %add3A_32 = arith.addi %mul3A_29, %mul3A_31 : i32
    %scan3A_33 = arith.constant 0 : i32
    %scan3A_34 = arith.constant 0 : i32
    %scan3A_35 = arith.constant 125 : i32
    %scan3A_36 = arith.addi %scan3A_34, %scan3A_35 : i32
    %scan3A_37 = arith.constant 1 : i32
    scf.for %scan3A_57 = %scan3A_34 to %scan3A_36 step %scan3A_37  : i32 {
      %mul3A_58 = arith.constant 80 : i32
      %mul3A_59 = arith.muli %scan3A_57, %mul3A_58 : i32
      %add3A_60 = arith.addi %add3A_32, %mul3A_59 : i32
      "tpu.region"() ({
        %run_scoped3A_61 = tpu.sem_alloc : memref<!tpu.dma_semaphore, #tpu.memory_space<semaphore_mem>>
        %dma_start3A = tpu.memref_slice %arg2[%add3A_60] : memref<320000xi32, #tpu.memory_space<hbm>> -> memref<80xi32, #tpu.memory_space<hbm>>
        %dma_start3A_62 = tpu.memref_slice %arg2[%add3A_60] : memref<320000xi32, #tpu.memory_space<hbm>> -> memref<80xi32, #tpu.memory_space<hbm>>
        tpu.enqueue_dma source(%dma_start3A_62 : memref<80xi32, #tpu.memory_space<hbm>>) target(%arg10 : memref<80xi32, #tpu.memory_space<vmem>>) target_semaphore(%run_scoped3A_61 : memref<!tpu.dma_semaphore, #tpu.memory_space<semaphore_mem>>)
        %dma_wait3A = tpu.memref_slice %arg2[%add3A_60] : memref<320000xi32, #tpu.memory_space<hbm>> -> memref<80xi32, #tpu.memory_space<hbm>>
        %dma_wait3A_63 = tpu.memref_slice %arg2[%add3A_60] : memref<320000xi32, #tpu.memory_space<hbm>> -> memref<80xi32, #tpu.memory_space<hbm>>
        tpu.wait_dma2 semaphore(%run_scoped3A_61 : memref<!tpu.dma_semaphore, #tpu.memory_space<semaphore_mem>>) src(%dma_wait3A_63 : memref<80xi32, #tpu.memory_space<hbm>>) dst(%arg10 : memref<80xi32, #tpu.memory_space<vmem>>)
        tpu.yield
      }) : () -> ()
      "tpu.region"() ({
        %run_scoped3A_61 = tpu.sem_alloc : memref<!tpu.dma_semaphore, #tpu.memory_space<semaphore_mem>>
        %dma_start3A = arith.constant 0 : i32
        %dma_start3A_62 = tpu.memref_slice %arg5[%add3A_60, %dma_start3A] : memref<320000x128xf32, #tpu.memory_space<hbm>> -> memref<80x128xf32, #tpu.memory_space<hbm>>
        %dma_start3A_63 = arith.constant 0 : i32
        %dma_start3A_64 = tpu.memref_slice %arg5[%add3A_60, %dma_start3A_63] : memref<320000x128xf32, #tpu.memory_space<hbm>> -> memref<80x128xf32, #tpu.memory_space<hbm>>
        tpu.enqueue_dma source(%dma_start3A_64 : memref<80x128xf32, #tpu.memory_space<hbm>>) target(%arg11 : memref<80x128xf32, #tpu.memory_space<vmem>>) target_semaphore(%run_scoped3A_61 : memref<!tpu.dma_semaphore, #tpu.memory_space<semaphore_mem>>)
        %dma_wait3A = arith.constant 0 : i32
        %dma_wait3A_65 = tpu.memref_slice %arg5[%add3A_60, %dma_wait3A] : memref<320000x128xf32, #tpu.memory_space<hbm>> -> memref<80x128xf32, #tpu.memory_space<hbm>>
        %dma_wait3A_66 = arith.constant 0 : i32
        %dma_wait3A_67 = tpu.memref_slice %arg5[%add3A_60, %dma_wait3A_66] : memref<320000x128xf32, #tpu.memory_space<hbm>> -> memref<80x128xf32, #tpu.memory_space<hbm>>
        tpu.wait_dma2 semaphore(%run_scoped3A_61 : memref<!tpu.dma_semaphore, #tpu.memory_space<semaphore_mem>>) src(%dma_wait3A_67 : memref<80x128xf32, #tpu.memory_space<hbm>>) dst(%arg11 : memref<80x128xf32, #tpu.memory_space<vmem>>)
        tpu.yield
      }) : () -> ()
      "tpu.region"() ({
        %run_scoped3A_61 = tpu.sem_alloc : memref<!tpu.dma_semaphore, #tpu.memory_space<semaphore_mem>>
        %dma_start3A = arith.constant 0 : i32
        %dma_start3A_62 = arith.constant 0 : i32
        %dma_start3A_63 = tpu.memref_slice %arg9[%dma_start3A, %dma_start3A_62] : memref<10112x128xf32, #tpu.memory_space<vmem_shared>> -> memref<10112x128xf32, #tpu.memory_space<vmem_shared>>
        tpu.enqueue_indirect_dma source(%arg11 : memref<80x128xf32, #tpu.memory_space<vmem>>) target(%dma_start3A_63 : memref<10112x128xf32, #tpu.memory_space<vmem_shared>>) offsets(%arg10 : memref<80xi32, #tpu.memory_space<vmem>>) semaphore(%run_scoped3A_61 : memref<!tpu.dma_semaphore, #tpu.memory_space<semaphore_mem>>) {add = true}
        %dma_wait3A = arith.constant 0 : i32
        %dma_wait3A_64 = arith.constant 0 : i32
        %dma_wait3A_65 = tpu.memref_slice %arg9[%dma_wait3A, %dma_wait3A_64] : memref<10112x128xf32, #tpu.memory_space<vmem_shared>> -> memref<10112x128xf32, #tpu.memory_space<vmem_shared>>
        tpu.wait_indirect_dma semaphore(%run_scoped3A_61 : memref<!tpu.dma_semaphore, #tpu.memory_space<semaphore_mem>>) src(%arg11 : memref<80x128xf32, #tpu.memory_space<vmem>>) dst(%dma_wait3A_65 : memref<10112x128xf32, #tpu.memory_space<vmem_shared>>)
        tpu.yield
      }) : () -> ()
    }
    %scan3A_38 = arith.constant 125 : i32
    %barrier3A_39 = arith.constant 0 : index
    tpu.barrier barrier_id(%barrier3A_39)
    %run_scoped3A_40 = arith.constant 2 : i32
    "tpu.region"() ({
      %run_scoped3A_57 = tpu.sem_alloc : memref<!tpu.dma_semaphore, #tpu.memory_space<semaphore_mem>>
      %dma_start3A = arith.constant 0 : i32
      %dma_start3A_58 = tpu.memref_slice %arg8[%run_scoped3A_40, %arg0, %mul3A_0, %dma_start3A] : memref<4x2x10112x128xf32, #tpu.memory_space<hbm>> -> memref<1x1x632x128xf32, #tpu.memory_space<hbm>>
      %dma_start3A_59 = tpu.memref_squeeze %dma_start3A_58 : memref<1x1x632x128xf32, #tpu.memory_space<hbm>> -> memref<632x128xf32, #tpu.memory_space<hbm>>
      %dma_start3A_60 = arith.constant 0 : i32
      %dma_start3A_61 = tpu.memref_slice %arg9[%mul3A_0, %dma_start3A_60] : memref<10112x128xf32, #tpu.memory_space<vmem_shared>> -> memref<632x128xf32, #tpu.memory_space<vmem_shared>>
      tpu.enqueue_dma source(%dma_start3A_61 : memref<632x128xf32, #tpu.memory_space<vmem_shared>>) target(%dma_start3A_59 : memref<632x128xf32, #tpu.memory_space<hbm>>) target_semaphore(%run_scoped3A_57 : memref<!tpu.dma_semaphore, #tpu.memory_space<semaphore_mem>>)
      %dma_wait3A = arith.constant 0 : i32
      %dma_wait3A_62 = tpu.memref_slice %arg8[%run_scoped3A_40, %arg0, %mul3A_0, %dma_wait3A] : memref<4x2x10112x128xf32, #tpu.memory_space<hbm>> -> memref<1x1x632x128xf32, #tpu.memory_space<hbm>>
      %dma_wait3A_63 = tpu.memref_squeeze %dma_wait3A_62 : memref<1x1x632x128xf32, #tpu.memory_space<hbm>> -> memref<632x128xf32, #tpu.memory_space<hbm>>
      %dma_wait3A_64 = arith.constant 0 : i32
      %dma_wait3A_65 = tpu.memref_slice %arg9[%mul3A_0, %dma_wait3A_64] : memref<10112x128xf32, #tpu.memory_space<vmem_shared>> -> memref<632x128xf32, #tpu.memory_space<vmem_shared>>
      tpu.wait_dma2 semaphore(%run_scoped3A_57 : memref<!tpu.dma_semaphore, #tpu.memory_space<semaphore_mem>>) src(%dma_wait3A_65 : memref<632x128xf32, #tpu.memory_space<vmem_shared>>) dst(%dma_wait3A_63 : memref<632x128xf32, #tpu.memory_space<hbm>>)
      tpu.yield
    }) : () -> ()
    %barrier3A_41 = arith.constant 0 : index
    tpu.barrier barrier_id(%barrier3A_41)
    "tpu.region"() ({
      %run_scoped3A_57 = tpu.sem_alloc : memref<!tpu.dma_semaphore, #tpu.memory_space<semaphore_mem>>
      %dma_start3A = arith.constant 0 : i32
      %dma_start3A_58 = tpu.memref_slice %arg9[%mul3A_0, %dma_start3A] : memref<10112x128xf32, #tpu.memory_space<vmem_shared>> -> memref<632x128xf32, #tpu.memory_space<vmem_shared>>
      %dma_start3A_59 = arith.constant 0 : i32
      %dma_start3A_60 = tpu.memref_slice %arg7[%mul3A_0, %dma_start3A_59] : memref<10112x128xf32, #tpu.memory_space<hbm>> -> memref<632x128xf32, #tpu.memory_space<hbm>>
      tpu.enqueue_dma source(%dma_start3A_60 : memref<632x128xf32, #tpu.memory_space<hbm>>) target(%dma_start3A_58 : memref<632x128xf32, #tpu.memory_space<vmem_shared>>) target_semaphore(%run_scoped3A_57 : memref<!tpu.dma_semaphore, #tpu.memory_space<semaphore_mem>>)
      %dma_wait3A = arith.constant 0 : i32
      %dma_wait3A_61 = tpu.memref_slice %arg9[%mul3A_0, %dma_wait3A] : memref<10112x128xf32, #tpu.memory_space<vmem_shared>> -> memref<632x128xf32, #tpu.memory_space<vmem_shared>>
      %dma_wait3A_62 = arith.constant 0 : i32
      %dma_wait3A_63 = tpu.memref_slice %arg7[%mul3A_0, %dma_wait3A_62] : memref<10112x128xf32, #tpu.memory_space<hbm>> -> memref<632x128xf32, #tpu.memory_space<hbm>>
      tpu.wait_dma2 semaphore(%run_scoped3A_57 : memref<!tpu.dma_semaphore, #tpu.memory_space<semaphore_mem>>) src(%dma_wait3A_63 : memref<632x128xf32, #tpu.memory_space<hbm>>) dst(%dma_wait3A_61 : memref<632x128xf32, #tpu.memory_space<vmem_shared>>)
      tpu.yield
    }) : () -> ()
    %barrier3A_42 = arith.constant 0 : index
    tpu.barrier barrier_id(%barrier3A_42)
    %mul3A_43 = arith.constant 160000 : i32
    %mul3A_44 = arith.muli %arg0, %mul3A_43 : i32
    %mul3A_45 = arith.constant 10000 : i32
    %mul3A_46 = arith.muli %arg1, %mul3A_45 : i32
    %add3A_47 = arith.addi %mul3A_44, %mul3A_46 : i32
    %scan3A_48 = arith.constant 0 : i32
    %scan3A_49 = arith.constant 0 : i32
    %scan3A_50 = arith.constant 125 : i32
    %scan3A_51 = arith.addi %scan3A_49, %scan3A_50 : i32
    %scan3A_52 = arith.constant 1 : i32
    scf.for %scan3A_57 = %scan3A_49 to %scan3A_51 step %scan3A_52  : i32 {
      %mul3A_58 = arith.constant 80 : i32
      %mul3A_59 = arith.muli %scan3A_57, %mul3A_58 : i32
      %add3A_60 = arith.addi %add3A_47, %mul3A_59 : i32
      "tpu.region"() ({
        %run_scoped3A_61 = tpu.sem_alloc : memref<!tpu.dma_semaphore, #tpu.memory_space<semaphore_mem>>
        %dma_start3A = tpu.memref_slice %arg2[%add3A_60] : memref<320000xi32, #tpu.memory_space<hbm>> -> memref<80xi32, #tpu.memory_space<hbm>>
        %dma_start3A_62 = tpu.memref_slice %arg2[%add3A_60] : memref<320000xi32, #tpu.memory_space<hbm>> -> memref<80xi32, #tpu.memory_space<hbm>>
        tpu.enqueue_dma source(%dma_start3A_62 : memref<80xi32, #tpu.memory_space<hbm>>) target(%arg10 : memref<80xi32, #tpu.memory_space<vmem>>) target_semaphore(%run_scoped3A_61 : memref<!tpu.dma_semaphore, #tpu.memory_space<semaphore_mem>>)
        %dma_wait3A = tpu.memref_slice %arg2[%add3A_60] : memref<320000xi32, #tpu.memory_space<hbm>> -> memref<80xi32, #tpu.memory_space<hbm>>
        %dma_wait3A_63 = tpu.memref_slice %arg2[%add3A_60] : memref<320000xi32, #tpu.memory_space<hbm>> -> memref<80xi32, #tpu.memory_space<hbm>>
        tpu.wait_dma2 semaphore(%run_scoped3A_61 : memref<!tpu.dma_semaphore, #tpu.memory_space<semaphore_mem>>) src(%dma_wait3A_63 : memref<80xi32, #tpu.memory_space<hbm>>) dst(%arg10 : memref<80xi32, #tpu.memory_space<vmem>>)
        tpu.yield
      }) : () -> ()
      "tpu.region"() ({
        %run_scoped3A_61 = tpu.sem_alloc : memref<!tpu.dma_semaphore, #tpu.memory_space<semaphore_mem>>
        %dma_start3A = arith.constant 0 : i32
        %dma_start3A_62 = tpu.memref_slice %arg6[%add3A_60, %dma_start3A] : memref<320000x128xf32, #tpu.memory_space<hbm>> -> memref<80x128xf32, #tpu.memory_space<hbm>>
        %dma_start3A_63 = arith.constant 0 : i32
        %dma_start3A_64 = tpu.memref_slice %arg6[%add3A_60, %dma_start3A_63] : memref<320000x128xf32, #tpu.memory_space<hbm>> -> memref<80x128xf32, #tpu.memory_space<hbm>>
        tpu.enqueue_dma source(%dma_start3A_64 : memref<80x128xf32, #tpu.memory_space<hbm>>) target(%arg11 : memref<80x128xf32, #tpu.memory_space<vmem>>) target_semaphore(%run_scoped3A_61 : memref<!tpu.dma_semaphore, #tpu.memory_space<semaphore_mem>>)
        %dma_wait3A = arith.constant 0 : i32
        %dma_wait3A_65 = tpu.memref_slice %arg6[%add3A_60, %dma_wait3A] : memref<320000x128xf32, #tpu.memory_space<hbm>> -> memref<80x128xf32, #tpu.memory_space<hbm>>
        %dma_wait3A_66 = arith.constant 0 : i32
        %dma_wait3A_67 = tpu.memref_slice %arg6[%add3A_60, %dma_wait3A_66] : memref<320000x128xf32, #tpu.memory_space<hbm>> -> memref<80x128xf32, #tpu.memory_space<hbm>>
        tpu.wait_dma2 semaphore(%run_scoped3A_61 : memref<!tpu.dma_semaphore, #tpu.memory_space<semaphore_mem>>) src(%dma_wait3A_67 : memref<80x128xf32, #tpu.memory_space<hbm>>) dst(%arg11 : memref<80x128xf32, #tpu.memory_space<vmem>>)
        tpu.yield
      }) : () -> ()
      "tpu.region"() ({
        %run_scoped3A_61 = tpu.sem_alloc : memref<!tpu.dma_semaphore, #tpu.memory_space<semaphore_mem>>
        %dma_start3A = arith.constant 0 : i32
        %dma_start3A_62 = arith.constant 0 : i32
        %dma_start3A_63 = tpu.memref_slice %arg9[%dma_start3A, %dma_start3A_62] : memref<10112x128xf32, #tpu.memory_space<vmem_shared>> -> memref<10112x128xf32, #tpu.memory_space<vmem_shared>>
        tpu.enqueue_indirect_dma source(%arg11 : memref<80x128xf32, #tpu.memory_space<vmem>>) target(%dma_start3A_63 : memref<10112x128xf32, #tpu.memory_space<vmem_shared>>) offsets(%arg10 : memref<80xi32, #tpu.memory_space<vmem>>) semaphore(%run_scoped3A_61 : memref<!tpu.dma_semaphore, #tpu.memory_space<semaphore_mem>>) {add = true}
        %dma_wait3A = arith.constant 0 : i32
        %dma_wait3A_64 = arith.constant 0 : i32
        %dma_wait3A_65 = tpu.memref_slice %arg9[%dma_wait3A, %dma_wait3A_64] : memref<10112x128xf32, #tpu.memory_space<vmem_shared>> -> memref<10112x128xf32, #tpu.memory_space<vmem_shared>>
        tpu.wait_indirect_dma semaphore(%run_scoped3A_61 : memref<!tpu.dma_semaphore, #tpu.memory_space<semaphore_mem>>) src(%arg11 : memref<80x128xf32, #tpu.memory_space<vmem>>) dst(%dma_wait3A_65 : memref<10112x128xf32, #tpu.memory_space<vmem_shared>>)
        tpu.yield
      }) : () -> ()
    }
    %scan3A_53 = arith.constant 125 : i32
    %barrier3A_54 = arith.constant 0 : index
    tpu.barrier barrier_id(%barrier3A_54)
    %run_scoped3A_55 = arith.constant 3 : i32
    "tpu.region"() ({
      %run_scoped3A_57 = tpu.sem_alloc : memref<!tpu.dma_semaphore, #tpu.memory_space<semaphore_mem>>
      %dma_start3A = arith.constant 0 : i32
      %dma_start3A_58 = tpu.memref_slice %arg8[%run_scoped3A_55, %arg0, %mul3A_0, %dma_start3A] : memref<4x2x10112x128xf32, #tpu.memory_space<hbm>> -> memref<1x1x632x128xf32, #tpu.memory_space<hbm>>
      %dma_start3A_59 = tpu.memref_squeeze %dma_start3A_58 : memref<1x1x632x128xf32, #tpu.memory_space<hbm>> -> memref<632x128xf32, #tpu.memory_space<hbm>>
      %dma_start3A_60 = arith.constant 0 : i32
      %dma_start3A_61 = tpu.memref_slice %arg9[%mul3A_0, %dma_start3A_60] : memref<10112x128xf32, #tpu.memory_space<vmem_shared>> -> memref<632x128xf32, #tpu.memory_space<vmem_shared>>
      tpu.enqueue_dma source(%dma_start3A_61 : memref<632x128xf32, #tpu.memory_space<vmem_shared>>) target(%dma_start3A_59 : memref<632x128xf32, #tpu.memory_space<hbm>>) target_semaphore(%run_scoped3A_57 : memref<!tpu.dma_semaphore, #tpu.memory_space<semaphore_mem>>)
      %dma_wait3A = arith.constant 0 : i32
      %dma_wait3A_62 = tpu.memref_slice %arg8[%run_scoped3A_55, %arg0, %mul3A_0, %dma_wait3A] : memref<4x2x10112x128xf32, #tpu.memory_space<hbm>> -> memref<1x1x632x128xf32, #tpu.memory_space<hbm>>
      %dma_wait3A_63 = tpu.memref_squeeze %dma_wait3A_62 : memref<1x1x632x128xf32, #tpu.memory_space<hbm>> -> memref<632x128xf32, #tpu.memory_space<hbm>>
      %dma_wait3A_64 = arith.constant 0 : i32
      %dma_wait3A_65 = tpu.memref_slice %arg9[%mul3A_0, %dma_wait3A_64] : memref<10112x128xf32, #tpu.memory_space<vmem_shared>> -> memref<632x128xf32, #tpu.memory_space<vmem_shared>>
      tpu.wait_dma2 semaphore(%run_scoped3A_57 : memref<!tpu.dma_semaphore, #tpu.memory_space<semaphore_mem>>) src(%dma_wait3A_65 : memref<632x128xf32, #tpu.memory_space<vmem_shared>>) dst(%dma_wait3A_63 : memref<632x128xf32, #tpu.memory_space<hbm>>)
      tpu.yield
    }) : () -> ()
    %barrier3A_56 = arith.constant 0 : index
    tpu.barrier barrier_id(%barrier3A_56)
    return
  }
}

module attributes {stable_mosaic.version = 14 : i64} {
  func.func @_node_pre_body(%arg0: i32, %arg1: memref<2000x1xi32, #tpu.memory_space<vmem>>, %arg2: memref<100x128xf32, #tpu.memory_space<vmem>>, %arg3: memref<2000x128xf32, #tpu.memory_space<vmem>>) attributes {dimension_semantics = [#tpu.dimension_semantics<arbitrary>], iteration_bounds = array<i64: 5>, scalar_prefetch = 0 : i64, scratch_operands = 0 : i64, tpu.core_type = #tpu.core_type<tc>, window_params = [{transform_indices = @transform_0, window_bounds = array<i64: 2000, 1>}, {pipeline_mode = #tpu.pipeline_mode<synchronous>, transform_indices = @transform_1, window_bounds = array<i64: 100, 128>}, {transform_indices = @transform_2, window_bounds = array<i64: 2000, 128>}]} {
    %get3A = arith.constant 0 : index
    %get3A_0 = arith.constant 0 : index
    %get3A_1 = vector.load %arg1[%get3A, %get3A_0] : memref<2000x1xi32, #tpu.memory_space<vmem>>, vector<2000x1xi32>
    %iota3A = tpu.iota {dimensions = array<i32: 1>} : vector<1x100xi32>
    %eq3A = vector.broadcast %get3A_1 : vector<2000x1xi32> to vector<2000x100xi32>
    %eq3A_2 = vector.broadcast %iota3A : vector<1x100xi32> to vector<2000x100xi32>
    %eq3A_3 = arith.cmpi eq, %eq3A, %eq3A_2 : vector<2000x100xi32>
    %convert_element_type3A = arith.extui %eq3A_3 : vector<2000x100xi1> to vector<2000x100xi32>
    %convert_element_type3A_4 = arith.sitofp %convert_element_type3A : vector<2000x100xi32> to vector<2000x100xf32>
    %get3A_5 = arith.constant 0 : index
    %get3A_6 = arith.constant 0 : index
    %get3A_7 = vector.load %arg2[%get3A_5, %get3A_6] : memref<100x128xf32, #tpu.memory_space<vmem>>, vector<100x128xf32>
    %dot_general3A = arith.constant dense<0.000000e+00> : vector<2000x128xf32>
    %dot_general3A_8 = tpu.matmul %convert_element_type3A_4, %get3A_7, %dot_general3A {dimension_numbers = #tpu.dot_dimension_numbers<[1], [0], [0], [1], [0, 0, 1, 1], [], []>, transpose_lhs_hint = false} : vector<2000x100xf32>, vector<100x128xf32>, vector<2000x128xf32> -> vector<2000x128xf32>
    %swap3A = arith.constant 0 : index
    %swap3A_9 = arith.constant 0 : index
    %swap3A_10 = vector.load %arg3[%swap3A, %swap3A_9] : memref<2000x128xf32, #tpu.memory_space<vmem>>, vector<2000x128xf32>
    tpu.vector_store %arg3[%swap3A, %swap3A_9], %dot_general3A_8 {strides = array<i32>} : memref<2000x128xf32, #tpu.memory_space<vmem>>, vector<2000x128xf32>,
    return
  }
  func.func @transform_0(%arg0: i32) -> (i32, i32) {
    %c0_i32 = arith.constant 0 : i32
    %c0_i32_0 = arith.constant 0 : i32
    return %arg0, %c0_i32 : i32, i32
  }
  func.func @transform_1(%arg0: i32) -> (i32, i32) {
    %c0_i32 = arith.constant 0 : i32
    %c0_i32_0 = arith.constant 0 : i32
    %c0_i32_1 = arith.constant 0 : i32
    return %c0_i32, %c0_i32_0 : i32, i32
  }
  func.func @transform_2(%arg0: i32) -> (i32, i32) {
    %c0_i32 = arith.constant 0 : i32
    %c0_i32_0 = arith.constant 0 : i32
    return %arg0, %c0_i32 : i32, i32
  }
}

module attributes {stable_mosaic.version = 14 : i64} {
  func.func @_edge_body(%arg0: i32, %arg1: memref<2000x3xf32, #tpu.memory_space<vmem>>, %arg2: memref<2000x128xf32, #tpu.memory_space<vmem>>, %arg3: memref<128x128xf32, #tpu.memory_space<vmem>>, %arg4: memref<1x128xf32, #tpu.memory_space<vmem>>, %arg5: memref<128x256xf32, #tpu.memory_space<vmem>>, %arg6: memref<1x256xf32, #tpu.memory_space<vmem>>, %arg7: memref<20x256xf32, #tpu.memory_space<vmem>>, %arg8: memref<1x256xf32, #tpu.memory_space<vmem>>, %arg9: memref<2000x128xf32, #tpu.memory_space<vmem>>, %arg10: memref<2000x128xf32, #tpu.memory_space<vmem>>, %arg11: memref<2000x128xf32, #tpu.memory_space<vmem>>, %arg12: memref<2000x128xf32, #tpu.memory_space<vmem>>) attributes {dimension_semantics = [#tpu.dimension_semantics<arbitrary>], iteration_bounds = array<i64: 160>, scalar_prefetch = 0 : i64, scratch_operands = 0 : i64, tpu.core_type = #tpu.core_type<tc>, window_params = [{transform_indices = @transform_0, window_bounds = array<i64: 2000, 3>}, {transform_indices = @transform_1, window_bounds = array<i64: 2000, 128>}, {pipeline_mode = #tpu.pipeline_mode<synchronous>, transform_indices = @transform_2, window_bounds = array<i64: 128, 128>}, {pipeline_mode = #tpu.pipeline_mode<synchronous>, transform_indices = @transform_3, window_bounds = array<i64: 1, 128>}, {pipeline_mode = #tpu.pipeline_mode<synchronous>, transform_indices = @transform_4, window_bounds = array<i64: 128, 256>}, {pipeline_mode = #tpu.pipeline_mode<synchronous>, transform_indices = @transform_5, window_bounds = array<i64: 1, 256>}, {pipeline_mode = #tpu.pipeline_mode<synchronous>, transform_indices = @transform_6, window_bounds = array<i64: 20, 256>}, {pipeline_mode = #tpu.pipeline_mode<synchronous>, transform_indices = @transform_7, window_bounds = array<i64: 1, 256>}, {transform_indices = @transform_8, window_bounds = array<i64: 2000, 128>}, {transform_indices = @transform_9, window_bounds = array<i64: 2000, 128>}, {transform_indices = @transform_10, window_bounds = array<i64: 2000, 128>}, {transform_indices = @transform_11, window_bounds = array<i64: 2000, 128>}]} {
    %get3A = arith.constant 0 : index
    %get3A_0 = arith.constant 0 : index
    %get3A_1 = vector.load %arg1[%get3A, %get3A_0] : memref<2000x3xf32, #tpu.memory_space<vmem>>, vector<2000x3xf32>
    %mul3A = arith.mulf %get3A_1, %get3A_1 : vector<2000x3xf32>
    %reduce_sum3A = arith.constant dense<0.000000e+00> : vector<2000xf32>
    %reduce_sum3A_2 = vector.multi_reduction <add>, %mul3A, %reduce_sum3A [1] : vector<2000x3xf32> to vector<2000xf32>
    %broadcast_in_dim3A = vector.shape_cast %reduce_sum3A_2 : vector<2000xf32> to vector<2000x1xf32>
    %sqrt3A = math.sqrt %broadcast_in_dim3A : vector<2000x1xf32>
    %max3A = arith.constant 9.99999971E-10 : f32
    %max3A_3 = vector.broadcast %max3A : f32 to vector<2000x1xf32>
    %max3A_4 = arith.maximumf %sqrt3A, %max3A_3 : vector<2000x1xf32>
    %get3A_5 = arith.constant 0 : index
    %get3A_6 = arith.constant 0 : index
    %get3A_7 = vector.load %arg2[%get3A_5, %get3A_6] : memref<2000x128xf32, #tpu.memory_space<vmem>>, vector<2000x128xf32>
    %get3A_8 = arith.constant 0 : index
    %get3A_9 = arith.constant 0 : index
    %get3A_10 = vector.load %arg3[%get3A_8, %get3A_9] : memref<128x128xf32, #tpu.memory_space<vmem>>, vector<128x128xf32>
    %dot_general3A = arith.constant dense<0.000000e+00> : vector<2000x128xf32>
    %dot_general3A_11 = tpu.matmul %get3A_7, %get3A_10, %dot_general3A {dimension_numbers = #tpu.dot_dimension_numbers<[1], [0], [0], [1], [0, 0, 1, 1], [], []>, transpose_lhs_hint = false} : vector<2000x128xf32>, vector<128x128xf32>, vector<2000x128xf32> -> vector<2000x128xf32>
    %get3A_12 = arith.constant 0 : index
    %get3A_13 = arith.constant 0 : index
    %get3A_14 = vector.load %arg4[%get3A_12, %get3A_13] : memref<1x128xf32, #tpu.memory_space<vmem>>, vector<1x128xf32>
    %add3A = vector.broadcast %get3A_14 : vector<1x128xf32> to vector<2000x128xf32>
    %add3A_15 = arith.addf %dot_general3A_11, %add3A : vector<2000x128xf32>
    %logistic3A = arith.negf %add3A_15 : vector<2000x128xf32>
    %logistic3A_16 = math.exp %logistic3A : vector<2000x128xf32>
    %logistic3A_17 = arith.constant 1.000000e+00 : f32
    %logistic3A_18 = vector.broadcast %logistic3A_17 : f32 to vector<2000x128xf32>
    %logistic3A_19 = arith.addf %logistic3A_18, %logistic3A_16 : vector<2000x128xf32>
    %logistic3A_20 = arith.divf %logistic3A_18, %logistic3A_19 : vector<2000x128xf32>
    %mul3A_21 = arith.mulf %add3A_15, %logistic3A_20 : vector<2000x128xf32>
    %get3A_22 = arith.constant 0 : index
    %get3A_23 = arith.constant 0 : index
    %get3A_24 = vector.load %arg5[%get3A_22, %get3A_23] : memref<128x256xf32, #tpu.memory_space<vmem>>, vector<128x256xf32>
    %dot_general3A_25 = arith.constant dense<0.000000e+00> : vector<2000x256xf32>
    %dot_general3A_26 = tpu.matmul %mul3A_21, %get3A_24, %dot_general3A_25 {dimension_numbers = #tpu.dot_dimension_numbers<[1], [0], [0], [1], [0, 0, 1, 1], [], []>, transpose_lhs_hint = false} : vector<2000x128xf32>, vector<128x256xf32>, vector<2000x256xf32> -> vector<2000x256xf32>
    %get3A_27 = arith.constant 0 : index
    %get3A_28 = arith.constant 0 : index
    %get3A_29 = vector.load %arg6[%get3A_27, %get3A_28] : memref<1x256xf32, #tpu.memory_space<vmem>>, vector<1x256xf32>
    %add3A_30 = vector.broadcast %get3A_29 : vector<1x256xf32> to vector<2000x256xf32>
    %add3A_31 = arith.addf %dot_general3A_26, %add3A_30 : vector<2000x256xf32>
    %iota3A = tpu.iota {dimensions = array<i32: 1>} : vector<1x20xi32>
    %convert_element_type3A = arith.sitofp %iota3A : vector<1x20xi32> to vector<1x20xf32>
    %add3A_32 = arith.constant 1.000000e+00 : f32
    %add3A_33 = vector.broadcast %add3A_32 : f32 to vector<1x20xf32>
    %add3A_34 = arith.addf %add3A_33, %convert_element_type3A : vector<1x20xf32>
    %mul3A_35 = arith.constant 0.314159274 : f32
    %mul3A_36 = vector.broadcast %mul3A_35 : f32 to vector<1x20xf32>
    %mul3A_37 = arith.mulf %add3A_34, %mul3A_36 : vector<1x20xf32>
    %mul3A_38 = vector.broadcast %mul3A_37 : vector<1x20xf32> to vector<2000x20xf32>
    %mul3A_39 = vector.broadcast %sqrt3A : vector<2000x1xf32> to vector<2000x20xf32>
    %mul3A_40 = arith.mulf %mul3A_38, %mul3A_39 : vector<2000x20xf32>
    %sin3A = math.sin %mul3A_40 : vector<2000x20xf32>
    %div3A = vector.broadcast %max3A_4 : vector<2000x1xf32> to vector<2000x20xf32>
    %div3A_41 = arith.divf %sin3A, %div3A : vector<2000x20xf32>
    %get3A_42 = arith.constant 0 : index
    %get3A_43 = arith.constant 0 : index
    %get3A_44 = vector.load %arg7[%get3A_42, %get3A_43] : memref<20x256xf32, #tpu.memory_space<vmem>>, vector<20x256xf32>
    %dot_general3A_45 = arith.constant dense<0.000000e+00> : vector<2000x256xf32>
    %dot_general3A_46 = tpu.matmul %div3A_41, %get3A_44, %dot_general3A_45 {dimension_numbers = #tpu.dot_dimension_numbers<[1], [0], [0], [1], [0, 0, 1, 1], [], []>, transpose_lhs_hint = false} : vector<2000x20xf32>, vector<20x256xf32>, vector<2000x256xf32> -> vector<2000x256xf32>
    %get3A_47 = arith.constant 0 : index
    %get3A_48 = arith.constant 0 : index
    %get3A_49 = vector.load %arg8[%get3A_47, %get3A_48] : memref<1x256xf32, #tpu.memory_space<vmem>>, vector<1x256xf32>
    %add3A_50 = vector.broadcast %get3A_49 : vector<1x256xf32> to vector<2000x256xf32>
    %add3A_51 = arith.addf %dot_general3A_46, %add3A_50 : vector<2000x256xf32>
    %le3A = arith.constant 1.000000e+01 : f32
    %le3A_52 = vector.broadcast %le3A : f32 to vector<2000x1xf32>
    %le3A_53 = arith.cmpf ole, %sqrt3A, %le3A_52 : vector<2000x1xf32>
    %mul3A_54 = arith.constant 0.314159274 : f32
    %mul3A_55 = vector.broadcast %mul3A_54 : f32 to vector<2000x1xf32>
    %mul3A_56 = arith.mulf %sqrt3A, %mul3A_55 : vector<2000x1xf32>
    %cos3A = math.cos %mul3A_56 : vector<2000x1xf32>
    %add3A_57 = arith.constant 1.000000e+00 : f32
    %add3A_58 = vector.broadcast %add3A_57 : f32 to vector<2000x1xf32>
    %add3A_59 = arith.addf %cos3A, %add3A_58 : vector<2000x1xf32>
    %mul3A_60 = arith.constant 5.000000e-01 : f32
    %mul3A_61 = vector.broadcast %mul3A_60 : f32 to vector<2000x1xf32>
    %mul3A_62 = arith.mulf %mul3A_61, %add3A_59 : vector<2000x1xf32>
    %jit3A = arith.constant 0.000000e+00 : f32
    %broadcast_in_dim3A_63 = vector.broadcast %jit3A : f32 to vector<2000x1xf32>
    %select_n3A = arith.select %le3A_53, %mul3A_62, %broadcast_in_dim3A_63 : vector<2000x1xi1>, vector<2000x1xf32>
    %mul3A_64 = vector.broadcast %select_n3A : vector<2000x1xf32> to vector<2000x256xf32>
    %mul3A_65 = arith.mulf %add3A_51, %mul3A_64 : vector<2000x256xf32>
    %mul3A_66 = arith.mulf %add3A_31, %mul3A_65 : vector<2000x256xf32>
    %slice3A = vector.extract_strided_slice %mul3A_66 {offsets = [0, 0], sizes = [2000, 128], strides = [1, 1]} : vector<2000x256xf32> to vector<2000x128xf32>
    %swap3A = arith.constant 0 : index
    %swap3A_67 = arith.constant 0 : index
    %swap3A_68 = vector.load %arg9[%swap3A, %swap3A_67] : memref<2000x128xf32, #tpu.memory_space<vmem>>, vector<2000x128xf32>
    tpu.vector_store %arg9[%swap3A, %swap3A_67], %slice3A {strides = array<i32>} : memref<2000x128xf32, #tpu.memory_space<vmem>>, vector<2000x128xf32>,
    %slice3A_69 = vector.extract_strided_slice %mul3A_66 {offsets = [0, 128], sizes = [2000, 128], strides = [1, 1]} : vector<2000x256xf32> to vector<2000x128xf32>
    %div3A_70 = vector.broadcast %max3A_4 : vector<2000x1xf32> to vector<2000x3xf32>
    %div3A_71 = arith.divf %get3A_1, %div3A_70 : vector<2000x3xf32>
    %slice3A_72 = vector.extract_strided_slice %div3A_71 {offsets = [0, 0], sizes = [2000, 1], strides = [1, 1]} : vector<2000x3xf32> to vector<2000x1xf32>
    %mul3A_73 = vector.broadcast %slice3A_72 : vector<2000x1xf32> to vector<2000x128xf32>
    %mul3A_74 = arith.mulf %slice3A_69, %mul3A_73 : vector<2000x128xf32>
    %swap3A_75 = arith.constant 0 : index
    %swap3A_76 = arith.constant 0 : index
    %swap3A_77 = vector.load %arg10[%swap3A_75, %swap3A_76] : memref<2000x128xf32, #tpu.memory_space<vmem>>, vector<2000x128xf32>
    tpu.vector_store %arg10[%swap3A_75, %swap3A_76], %mul3A_74 {strides = array<i32>} : memref<2000x128xf32, #tpu.memory_space<vmem>>, vector<2000x128xf32>,
    %slice3A_78 = vector.extract_strided_slice %div3A_71 {offsets = [0, 1], sizes = [2000, 1], strides = [1, 1]} : vector<2000x3xf32> to vector<2000x1xf32>
    %mul3A_79 = vector.broadcast %slice3A_78 : vector<2000x1xf32> to vector<2000x128xf32>
    %mul3A_80 = arith.mulf %slice3A_69, %mul3A_79 : vector<2000x128xf32>
    %swap3A_81 = arith.constant 0 : index
    %swap3A_82 = arith.constant 0 : index
    %swap3A_83 = vector.load %arg11[%swap3A_81, %swap3A_82] : memref<2000x128xf32, #tpu.memory_space<vmem>>, vector<2000x128xf32>
    tpu.vector_store %arg11[%swap3A_81, %swap3A_82], %mul3A_80 {strides = array<i32>} : memref<2000x128xf32, #tpu.memory_space<vmem>>, vector<2000x128xf32>,
    %slice3A_84 = vector.extract_strided_slice %div3A_71 {offsets = [0, 2], sizes = [2000, 1], strides = [1, 1]} : vector<2000x3xf32> to vector<2000x1xf32>
    %mul3A_85 = vector.broadcast %slice3A_84 : vector<2000x1xf32> to vector<2000x128xf32>
    %mul3A_86 = arith.mulf %slice3A_69, %mul3A_85 : vector<2000x128xf32>
    %swap3A_87 = arith.constant 0 : index
    %swap3A_88 = arith.constant 0 : index
    %swap3A_89 = vector.load %arg12[%swap3A_87, %swap3A_88] : memref<2000x128xf32, #tpu.memory_space<vmem>>, vector<2000x128xf32>
    tpu.vector_store %arg12[%swap3A_87, %swap3A_88], %mul3A_86 {strides = array<i32>} : memref<2000x128xf32, #tpu.memory_space<vmem>>, vector<2000x128xf32>,
    return
  }
  func.func @transform_0(%arg0: i32) -> (i32, i32) {
    %c0_i32 = arith.constant 0 : i32
    %c0_i32_0 = arith.constant 0 : i32
    return %arg0, %c0_i32 : i32, i32
  }
  func.func @transform_1(%arg0: i32) -> (i32, i32) {
    %c0_i32 = arith.constant 0 : i32
    %c0_i32_0 = arith.constant 0 : i32
    return %arg0, %c0_i32 : i32, i32
  }
  func.func @transform_2(%arg0: i32) -> (i32, i32) {
    %c0_i32 = arith.constant 0 : i32
    %c0_i32_0 = arith.constant 0 : i32
    %c0_i32_1 = arith.constant 0 : i32
    return %c0_i32, %c0_i32_0 : i32, i32
  }
  func.func @transform_3(%arg0: i32) -> (i32, i32) {
    %c0_i32 = arith.constant 0 : i32
    %c0_i32_0 = arith.constant 0 : i32
    %c0_i32_1 = arith.constant 0 : i32
    return %c0_i32, %c0_i32_0 : i32, i32
  }
  func.func @transform_4(%arg0: i32) -> (i32, i32) {
    %c0_i32 = arith.constant 0 : i32
    %c0_i32_0 = arith.constant 0 : i32
    %c0_i32_1 = arith.constant 0 : i32
    return %c0_i32, %c0_i32_0 : i32, i32
  }
  func.func @transform_5(%arg0: i32) -> (i32, i32) {
    %c0_i32 = arith.constant 0 : i32
    %c0_i32_0 = arith.constant 0 : i32
    %c0_i32_1 = arith.constant 0 : i32
    return %c0_i32, %c0_i32_0 : i32, i32
  }
  func.func @transform_6(%arg0: i32) -> (i32, i32) {
    %c0_i32 = arith.constant 0 : i32
    %c0_i32_0 = arith.constant 0 : i32
    %c0_i32_1 = arith.constant 0 : i32
    return %c0_i32, %c0_i32_0 : i32, i32
  }
  func.func @transform_7(%arg0: i32) -> (i32, i32) {
    %c0_i32 = arith.constant 0 : i32
    %c0_i32_0 = arith.constant 0 : i32
    %c0_i32_1 = arith.constant 0 : i32
    return %c0_i32, %c0_i32_0 : i32, i32
  }
  func.func @transform_8(%arg0: i32) -> (i32, i32) {
    %c0_i32 = arith.constant 0 : i32
    %c0_i32_0 = arith.constant 0 : i32
    return %arg0, %c0_i32 : i32, i32
  }
  func.func @transform_9(%arg0: i32) -> (i32, i32) {
    %c0_i32 = arith.constant 0 : i32
    %c0_i32_0 = arith.constant 0 : i32
    return %arg0, %c0_i32 : i32, i32
  }
  func.func @transform_10(%arg0: i32) -> (i32, i32) {
    %c0_i32 = arith.constant 0 : i32
    %c0_i32_0 = arith.constant 0 : i32
    return %arg0, %c0_i32 : i32, i32
  }
  func.func @transform_11(%arg0: i32) -> (i32, i32) {
    %c0_i32 = arith.constant 0 : i32
    %c0_i32_0 = arith.constant 0 : i32
    return %arg0, %c0_i32 : i32, i32
  }
}

module attributes {stable_mosaic.version = 14 : i64} {
  func.func @_node_post_body(%arg0: i32, %arg1: memref<2000x128xf32, #tpu.memory_space<vmem>>, %arg2: memref<8x2000x128xf32, #tpu.memory_space<vmem>>, %arg3: memref<2000x1xi32, #tpu.memory_space<vmem>>, %arg4: memref<128x128xf32, #tpu.memory_space<vmem>>, %arg5: memref<128x128xf32, #tpu.memory_space<vmem>>, %arg6: memref<128x128xf32, #tpu.memory_space<vmem>>, %arg7: memref<128x128xf32, #tpu.memory_space<vmem>>, %arg8: memref<1x128xf32, #tpu.memory_space<vmem>>, %arg9: memref<128x384xf32, #tpu.memory_space<vmem>>, %arg10: memref<1x384xf32, #tpu.memory_space<vmem>>, %arg11: memref<64x128xf32, #tpu.memory_space<vmem>>) attributes {dimension_semantics = [#tpu.dimension_semantics<arbitrary>], iteration_bounds = array<i64: 5>, scalar_prefetch = 0 : i64, scratch_operands = 0 : i64, tpu.core_type = #tpu.core_type<tc>, window_params = [{transform_indices = @transform_0, window_bounds = array<i64: 2000, 128>}, {transform_indices = @transform_1, window_bounds = array<i64: 8, 2000, 128>}, {transform_indices = @transform_2, window_bounds = array<i64: 2000, 1>}, {pipeline_mode = #tpu.pipeline_mode<synchronous>, transform_indices = @transform_3, window_bounds = array<i64: 128, 128>}, {pipeline_mode = #tpu.pipeline_mode<synchronous>, transform_indices = @transform_4, window_bounds = array<i64: 128, 128>}, {pipeline_mode = #tpu.pipeline_mode<synchronous>, transform_indices = @transform_5, window_bounds = array<i64: 128, 128>}, {pipeline_mode = #tpu.pipeline_mode<synchronous>, transform_indices = @transform_6, window_bounds = array<i64: 128, 128>}, {pipeline_mode = #tpu.pipeline_mode<synchronous>, transform_indices = @transform_7, window_bounds = array<i64: 1, 128>}, {pipeline_mode = #tpu.pipeline_mode<synchronous>, transform_indices = @transform_8, window_bounds = array<i64: 128, 384>}, {pipeline_mode = #tpu.pipeline_mode<synchronous>, transform_indices = @transform_9, window_bounds = array<i64: 1, 384>}, {pipeline_mode = #tpu.pipeline_mode<synchronous>, transform_indices = @transform_10, window_bounds = array<i64: 64, 128>}]} {
    %get3A = arith.constant 0 : index
    %get3A_0 = arith.constant 0 : index
    %get3A_1 = arith.constant 0 : index
    %get3A_2 = vector.load %arg2[%get3A, %get3A_0, %get3A_1] : memref<8x2000x128xf32, #tpu.memory_space<vmem>>, vector<8x2000x128xf32>
    %get3A_3 = arith.constant 0 : index
    %get3A_4 = arith.constant 0 : index
    %get3A_5 = vector.load %arg1[%get3A_3, %get3A_4] : memref<2000x128xf32, #tpu.memory_space<vmem>>, vector<2000x128xf32>
    %slice3A = vector.extract_strided_slice %get3A_2 {offsets = [0, 0, 0], sizes = [1, 2000, 128], strides = [1, 1, 1]} : vector<8x2000x128xf32> to vector<1x2000x128xf32>
    %squeeze3A = vector.shape_cast %slice3A : vector<1x2000x128xf32> to vector<2000x128xf32>
    %add3A = arith.addf %get3A_5, %squeeze3A : vector<2000x128xf32>
    %slice3A_6 = vector.extract_strided_slice %get3A_2 {offsets = [1, 0, 0], sizes = [1, 2000, 128], strides = [1, 1, 1]} : vector<8x2000x128xf32> to vector<1x2000x128xf32>
    %squeeze3A_7 = vector.shape_cast %slice3A_6 : vector<1x2000x128xf32> to vector<2000x128xf32>
    %add3A_8 = arith.addf %add3A, %squeeze3A_7 : vector<2000x128xf32>
    %get3A_9 = arith.constant 0 : index
    %get3A_10 = arith.constant 0 : index
    %get3A_11 = vector.load %arg4[%get3A_9, %get3A_10] : memref<128x128xf32, #tpu.memory_space<vmem>>, vector<128x128xf32>
    %get3A_12 = arith.constant 0 : index
    %get3A_13 = arith.constant 0 : index
    %get3A_14 = vector.load %arg5[%get3A_12, %get3A_13] : memref<128x128xf32, #tpu.memory_space<vmem>>, vector<128x128xf32>
    %slice3A_15 = vector.extract_strided_slice %get3A_2 {offsets = [2, 0, 0], sizes = [1, 2000, 128], strides = [1, 1, 1]} : vector<8x2000x128xf32> to vector<1x2000x128xf32>
    %squeeze3A_16 = vector.shape_cast %slice3A_15 : vector<1x2000x128xf32> to vector<2000x128xf32>
    %slice3A_17 = vector.extract_strided_slice %get3A_2 {offsets = [3, 0, 0], sizes = [1, 2000, 128], strides = [1, 1, 1]} : vector<8x2000x128xf32> to vector<1x2000x128xf32>
    %squeeze3A_18 = vector.shape_cast %slice3A_17 : vector<1x2000x128xf32> to vector<2000x128xf32>
    %add3A_19 = arith.addf %squeeze3A_16, %squeeze3A_18 : vector<2000x128xf32>
    %slice3A_20 = vector.extract_strided_slice %get3A_2 {offsets = [4, 0, 0], sizes = [1, 2000, 128], strides = [1, 1, 1]} : vector<8x2000x128xf32> to vector<1x2000x128xf32>
    %squeeze3A_21 = vector.shape_cast %slice3A_20 : vector<1x2000x128xf32> to vector<2000x128xf32>
    %slice3A_22 = vector.extract_strided_slice %get3A_2 {offsets = [5, 0, 0], sizes = [1, 2000, 128], strides = [1, 1, 1]} : vector<8x2000x128xf32> to vector<1x2000x128xf32>
    %squeeze3A_23 = vector.shape_cast %slice3A_22 : vector<1x2000x128xf32> to vector<2000x128xf32>
    %add3A_24 = arith.addf %squeeze3A_21, %squeeze3A_23 : vector<2000x128xf32>
    %slice3A_25 = vector.extract_strided_slice %get3A_2 {offsets = [6, 0, 0], sizes = [1, 2000, 128], strides = [1, 1, 1]} : vector<8x2000x128xf32> to vector<1x2000x128xf32>
    %squeeze3A_26 = vector.shape_cast %slice3A_25 : vector<1x2000x128xf32> to vector<2000x128xf32>
    %slice3A_27 = vector.extract_strided_slice %get3A_2 {offsets = [7, 0, 0], sizes = [1, 2000, 128], strides = [1, 1, 1]} : vector<8x2000x128xf32> to vector<1x2000x128xf32>
    %squeeze3A_28 = vector.shape_cast %slice3A_27 : vector<1x2000x128xf32> to vector<2000x128xf32>
    %add3A_29 = arith.addf %squeeze3A_26, %squeeze3A_28 : vector<2000x128xf32>
    %dot_general3A = arith.constant dense<0.000000e+00> : vector<2000x128xf32>
    %dot_general3A_30 = tpu.matmul %add3A_19, %get3A_11, %dot_general3A {dimension_numbers = #tpu.dot_dimension_numbers<[1], [0], [0], [1], [0, 0, 1, 1], [], []>, transpose_lhs_hint = false} : vector<2000x128xf32>, vector<128x128xf32>, vector<2000x128xf32> -> vector<2000x128xf32>
    %dot_general3A_31 = arith.constant dense<0.000000e+00> : vector<2000x128xf32>
    %dot_general3A_32 = tpu.matmul %add3A_24, %get3A_11, %dot_general3A_31 {dimension_numbers = #tpu.dot_dimension_numbers<[1], [0], [0], [1], [0, 0, 1, 1], [], []>, transpose_lhs_hint = false} : vector<2000x128xf32>, vector<128x128xf32>, vector<2000x128xf32> -> vector<2000x128xf32>
    %dot_general3A_33 = arith.constant dense<0.000000e+00> : vector<2000x128xf32>
    %dot_general3A_34 = tpu.matmul %add3A_29, %get3A_11, %dot_general3A_33 {dimension_numbers = #tpu.dot_dimension_numbers<[1], [0], [0], [1], [0, 0, 1, 1], [], []>, transpose_lhs_hint = false} : vector<2000x128xf32>, vector<128x128xf32>, vector<2000x128xf32> -> vector<2000x128xf32>
    %dot_general3A_35 = arith.constant dense<0.000000e+00> : vector<2000x128xf32>
    %dot_general3A_36 = tpu.matmul %add3A_19, %get3A_14, %dot_general3A_35 {dimension_numbers = #tpu.dot_dimension_numbers<[1], [0], [0], [1], [0, 0, 1, 1], [], []>, transpose_lhs_hint = false} : vector<2000x128xf32>, vector<128x128xf32>, vector<2000x128xf32> -> vector<2000x128xf32>
    %dot_general3A_37 = arith.constant dense<0.000000e+00> : vector<2000x128xf32>
    %dot_general3A_38 = tpu.matmul %add3A_24, %get3A_14, %dot_general3A_37 {dimension_numbers = #tpu.dot_dimension_numbers<[1], [0], [0], [1], [0, 0, 1, 1], [], []>, transpose_lhs_hint = false} : vector<2000x128xf32>, vector<128x128xf32>, vector<2000x128xf32> -> vector<2000x128xf32>
    %dot_general3A_39 = arith.constant dense<0.000000e+00> : vector<2000x128xf32>
    %dot_general3A_40 = tpu.matmul %add3A_29, %get3A_14, %dot_general3A_39 {dimension_numbers = #tpu.dot_dimension_numbers<[1], [0], [0], [1], [0, 0, 1, 1], [], []>, transpose_lhs_hint = false} : vector<2000x128xf32>, vector<128x128xf32>, vector<2000x128xf32> -> vector<2000x128xf32>
    %mul3A = arith.mulf %dot_general3A_30, %dot_general3A_36 : vector<2000x128xf32>
    %mul3A_41 = arith.mulf %dot_general3A_32, %dot_general3A_38 : vector<2000x128xf32>
    %add3A_42 = arith.addf %mul3A, %mul3A_41 : vector<2000x128xf32>
    %mul3A_43 = arith.mulf %dot_general3A_34, %dot_general3A_40 : vector<2000x128xf32>
    %add3A_44 = arith.addf %add3A_42, %mul3A_43 : vector<2000x128xf32>
    %mul3A_45 = arith.mulf %dot_general3A_36, %dot_general3A_36 : vector<2000x128xf32>
    %mul3A_46 = arith.mulf %dot_general3A_38, %dot_general3A_38 : vector<2000x128xf32>
    %add3A_47 = arith.addf %mul3A_45, %mul3A_46 : vector<2000x128xf32>
    %mul3A_48 = arith.mulf %dot_general3A_40, %dot_general3A_40 : vector<2000x128xf32>
    %add3A_49 = arith.addf %add3A_47, %mul3A_48 : vector<2000x128xf32>
    %sqrt3A = math.sqrt %add3A_49 : vector<2000x128xf32>
    %get3A_50 = arith.constant 0 : index
    %get3A_51 = arith.constant 0 : index
    %get3A_52 = vector.load %arg6[%get3A_50, %get3A_51] : memref<128x128xf32, #tpu.memory_space<vmem>>, vector<128x128xf32>
    %dot_general3A_53 = arith.constant dense<0.000000e+00> : vector<2000x128xf32>
    %dot_general3A_54 = tpu.matmul %sqrt3A, %get3A_52, %dot_general3A_53 {dimension_numbers = #tpu.dot_dimension_numbers<[1], [0], [0], [1], [0, 0, 1, 1], [], []>, transpose_lhs_hint = false} : vector<2000x128xf32>, vector<128x128xf32>, vector<2000x128xf32> -> vector<2000x128xf32>
    %get3A_55 = arith.constant 0 : index
    %get3A_56 = arith.constant 0 : index
    %get3A_57 = vector.load %arg7[%get3A_55, %get3A_56] : memref<128x128xf32, #tpu.memory_space<vmem>>, vector<128x128xf32>
    %dot_general3A_58 = arith.constant dense<0.000000e+00> : vector<2000x128xf32>
    %dot_general3A_59 = tpu.matmul %add3A_8, %get3A_57, %dot_general3A_58 {dimension_numbers = #tpu.dot_dimension_numbers<[1], [0], [0], [1], [0, 0, 1, 1], [], []>, transpose_lhs_hint = false} : vector<2000x128xf32>, vector<128x128xf32>, vector<2000x128xf32> -> vector<2000x128xf32>
    %add3A_60 = arith.addf %dot_general3A_54, %dot_general3A_59 : vector<2000x128xf32>
    %get3A_61 = arith.constant 0 : index
    %get3A_62 = arith.constant 0 : index
    %get3A_63 = vector.load %arg8[%get3A_61, %get3A_62] : memref<1x128xf32, #tpu.memory_space<vmem>>, vector<1x128xf32>
    %add3A_64 = vector.broadcast %get3A_63 : vector<1x128xf32> to vector<2000x128xf32>
    %add3A_65 = arith.addf %add3A_60, %add3A_64 : vector<2000x128xf32>
    %logistic3A = arith.negf %add3A_65 : vector<2000x128xf32>
    %logistic3A_66 = math.exp %logistic3A : vector<2000x128xf32>
    %logistic3A_67 = arith.constant 1.000000e+00 : f32
    %logistic3A_68 = vector.broadcast %logistic3A_67 : f32 to vector<2000x128xf32>
    %logistic3A_69 = arith.addf %logistic3A_68, %logistic3A_66 : vector<2000x128xf32>
    %logistic3A_70 = arith.divf %logistic3A_68, %logistic3A_69 : vector<2000x128xf32>
    %mul3A_71 = arith.mulf %add3A_65, %logistic3A_70 : vector<2000x128xf32>
    %get3A_72 = arith.constant 0 : index
    %get3A_73 = arith.constant 0 : index
    %get3A_74 = vector.load %arg9[%get3A_72, %get3A_73] : memref<128x384xf32, #tpu.memory_space<vmem>>, vector<128x384xf32>
    %dot_general3A_75 = arith.constant dense<0.000000e+00> : vector<2000x384xf32>
    %dot_general3A_76 = tpu.matmul %mul3A_71, %get3A_74, %dot_general3A_75 {dimension_numbers = #tpu.dot_dimension_numbers<[1], [0], [0], [1], [0, 0, 1, 1], [], []>, transpose_lhs_hint = false} : vector<2000x128xf32>, vector<128x384xf32>, vector<2000x384xf32> -> vector<2000x384xf32>
    %get3A_77 = arith.constant 0 : index
    %get3A_78 = arith.constant 0 : index
    %get3A_79 = vector.load %arg10[%get3A_77, %get3A_78] : memref<1x384xf32, #tpu.memory_space<vmem>>, vector<1x384xf32>
    %add3A_80 = vector.broadcast %get3A_79 : vector<1x384xf32> to vector<2000x384xf32>
    %add3A_81 = arith.addf %dot_general3A_76, %add3A_80 : vector<2000x384xf32>
    %slice3A_82 = vector.extract_strided_slice %add3A_81 {offsets = [0, 256], sizes = [2000, 128], strides = [1, 1]} : vector<2000x384xf32> to vector<2000x128xf32>
    %add3A_83 = arith.addf %add3A_8, %slice3A_82 : vector<2000x128xf32>
    %slice3A_84 = vector.extract_strided_slice %add3A_81 {offsets = [0, 128], sizes = [2000, 128], strides = [1, 1]} : vector<2000x384xf32> to vector<2000x128xf32>
    %mul3A_85 = arith.mulf %add3A_44, %slice3A_84 : vector<2000x128xf32>
    %add3A_86 = arith.addf %add3A_83, %mul3A_85 : vector<2000x128xf32>
    %get3A_87 = arith.constant 0 : index
    %get3A_88 = arith.constant 0 : index
    %get3A_89 = vector.load %arg3[%get3A_87, %get3A_88] : memref<2000x1xi32, #tpu.memory_space<vmem>>, vector<2000x1xi32>
    %iota3A = tpu.iota {dimensions = array<i32: 1>} : vector<1x64xi32>
    %eq3A = vector.broadcast %get3A_89 : vector<2000x1xi32> to vector<2000x64xi32>
    %eq3A_90 = vector.broadcast %iota3A : vector<1x64xi32> to vector<2000x64xi32>
    %eq3A_91 = arith.cmpi eq, %eq3A, %eq3A_90 : vector<2000x64xi32>
    %convert_element_type3A = arith.extui %eq3A_91 : vector<2000x64xi1> to vector<2000x64xi32>
    %convert_element_type3A_92 = arith.sitofp %convert_element_type3A : vector<2000x64xi32> to vector<2000x64xf32>
    %dot_general3A_93 = arith.constant dense<0.000000e+00> : vector<64x128xf32>
    %dot_general3A_94 = tpu.matmul %convert_element_type3A_92, %add3A_86, %dot_general3A_93 {dimension_numbers = #tpu.dot_dimension_numbers<[0], [0], [1], [1], [0, 1, 1, 1], [], []>, transpose_lhs_hint = false} : vector<2000x64xf32>, vector<2000x128xf32>, vector<64x128xf32> -> vector<64x128xf32>
    %eq3A_95 = arith.constant 0 : i32
    %eq3A_96 = arith.cmpi eq, %arg0, %eq3A_95 : i32
    %convert_element_type3A_97 = arith.extui %eq3A_96 : i1 to i32
    %cond3A = arith.constant 0 : i32
    %cond3A_98 = arith.cmpi ne, %convert_element_type3A_97, %cond3A : i32
    scf.if %cond3A_98 {
      %broadcast_in_dim3A = arith.constant 0.000000e+00 : f32
      %broadcast_in_dim3A_105 = vector.broadcast %broadcast_in_dim3A : f32 to vector<64x128xf32>
      %swap3A_106 = arith.constant 0 : index
      %swap3A_107 = arith.constant 0 : index
      %swap3A_108 = vector.load %arg11[%swap3A_106, %swap3A_107] : memref<64x128xf32, #tpu.memory_space<vmem>>, vector<64x128xf32>
      tpu.vector_store %arg11[%swap3A_106, %swap3A_107], %broadcast_in_dim3A_105 {strides = array<i32>} : memref<64x128xf32, #tpu.memory_space<vmem>>, vector<64x128xf32>,
    } else {
    }
    %get3A_99 = arith.constant 0 : index
    %get3A_100 = arith.constant 0 : index
    %get3A_101 = vector.load %arg11[%get3A_99, %get3A_100] : memref<64x128xf32, #tpu.memory_space<vmem>>, vector<64x128xf32>
    %add3A_102 = arith.addf %get3A_101, %dot_general3A_94 : vector<64x128xf32>
    %swap3A = arith.constant 0 : index
    %swap3A_103 = arith.constant 0 : index
    %swap3A_104 = vector.load %arg11[%swap3A, %swap3A_103] : memref<64x128xf32, #tpu.memory_space<vmem>>, vector<64x128xf32>
    tpu.vector_store %arg11[%swap3A, %swap3A_103], %add3A_102 {strides = array<i32>} : memref<64x128xf32, #tpu.memory_space<vmem>>, vector<64x128xf32>,
    return
  }
  func.func @transform_0(%arg0: i32) -> (i32, i32) {
    %c0_i32 = arith.constant 0 : i32
    %c0_i32_0 = arith.constant 0 : i32
    return %arg0, %c0_i32 : i32, i32
  }
  func.func @transform_1(%arg0: i32) -> (i32, i32, i32) {
    %c0_i32 = arith.constant 0 : i32
    %c0_i32_0 = arith.constant 0 : i32
    %c0_i32_1 = arith.constant 0 : i32
    return %c0_i32, %arg0, %c0_i32_0 : i32, i32, i32
  }
  func.func @transform_2(%arg0: i32) -> (i32, i32) {
    %c0_i32 = arith.constant 0 : i32
    %c0_i32_0 = arith.constant 0 : i32
    return %arg0, %c0_i32 : i32, i32
  }
  func.func @transform_3(%arg0: i32) -> (i32, i32) {
    %c0_i32 = arith.constant 0 : i32
    %c0_i32_0 = arith.constant 0 : i32
    %c0_i32_1 = arith.constant 0 : i32
    return %c0_i32, %c0_i32_0 : i32, i32
  }
  func.func @transform_4(%arg0: i32) -> (i32, i32) {
    %c0_i32 = arith.constant 0 : i32
    %c0_i32_0 = arith.constant 0 : i32
    %c0_i32_1 = arith.constant 0 : i32
    return %c0_i32, %c0_i32_0 : i32, i32
  }
  func.func @transform_5(%arg0: i32) -> (i32, i32) {
    %c0_i32 = arith.constant 0 : i32
    %c0_i32_0 = arith.constant 0 : i32
    %c0_i32_1 = arith.constant 0 : i32
    return %c0_i32, %c0_i32_0 : i32, i32
  }
  func.func @transform_6(%arg0: i32) -> (i32, i32) {
    %c0_i32 = arith.constant 0 : i32
    %c0_i32_0 = arith.constant 0 : i32
    %c0_i32_1 = arith.constant 0 : i32
    return %c0_i32, %c0_i32_0 : i32, i32
  }
  func.func @transform_7(%arg0: i32) -> (i32, i32) {
    %c0_i32 = arith.constant 0 : i32
    %c0_i32_0 = arith.constant 0 : i32
    %c0_i32_1 = arith.constant 0 : i32
    return %c0_i32, %c0_i32_0 : i32, i32
  }
  func.func @transform_8(%arg0: i32) -> (i32, i32) {
    %c0_i32 = arith.constant 0 : i32
    %c0_i32_0 = arith.constant 0 : i32
    %c0_i32_1 = arith.constant 0 : i32
    return %c0_i32, %c0_i32_0 : i32, i32
  }
  func.func @transform_9(%arg0: i32) -> (i32, i32) {
    %c0_i32 = arith.constant 0 : i32
    %c0_i32_0 = arith.constant 0 : i32
    %c0_i32_1 = arith.constant 0 : i32
    return %c0_i32, %c0_i32_0 : i32, i32
  }
  func.func @transform_10(%arg0: i32) -> (i32, i32) {
    %c0_i32 = arith.constant 0 : i32
    %c0_i32_0 = arith.constant 0 : i32
    %c0_i32_1 = arith.constant 0 : i32
    return %c0_i32, %c0_i32_0 : i32, i32
  }
}

module attributes {stable_mosaic.version = 14 : i64} {
  func.func @_out_body(%arg0: memref<64x128xf32, #tpu.memory_space<vmem>>, %arg1: memref<128x128xf32, #tpu.memory_space<vmem>>, %arg2: memref<1x128xf32, #tpu.memory_space<vmem>>, %arg3: memref<128x1xf32, #tpu.memory_space<vmem>>, %arg4: memref<1x1xf32, #tpu.memory_space<vmem>>, %arg5: memref<64x1xf32, #tpu.memory_space<vmem>>) attributes {dimension_semantics = [], scalar_prefetch = 0 : i64, scratch_operands = 0 : i64, tpu.core_type = #tpu.core_type<tc>} {
    %get3A = arith.constant 0 : index
    %get3A_0 = arith.constant 0 : index
    %get3A_1 = vector.load %arg0[%get3A, %get3A_0] : memref<64x128xf32, #tpu.memory_space<vmem>>, vector<64x128xf32>
    %get3A_2 = arith.constant 0 : index
    %get3A_3 = arith.constant 0 : index
    %get3A_4 = vector.load %arg1[%get3A_2, %get3A_3] : memref<128x128xf32, #tpu.memory_space<vmem>>, vector<128x128xf32>
    %dot_general3A = arith.constant dense<0.000000e+00> : vector<64x128xf32>
    %dot_general3A_5 = tpu.matmul %get3A_1, %get3A_4, %dot_general3A {dimension_numbers = #tpu.dot_dimension_numbers<[1], [0], [0], [1], [0, 0, 1, 1], [], []>, transpose_lhs_hint = false} : vector<64x128xf32>, vector<128x128xf32>, vector<64x128xf32> -> vector<64x128xf32>
    %get3A_6 = arith.constant 0 : index
    %get3A_7 = arith.constant 0 : index
    %get3A_8 = vector.load %arg2[%get3A_6, %get3A_7] : memref<1x128xf32, #tpu.memory_space<vmem>>, vector<1x128xf32>
    %add3A = vector.broadcast %get3A_8 : vector<1x128xf32> to vector<64x128xf32>
    %add3A_9 = arith.addf %dot_general3A_5, %add3A : vector<64x128xf32>
    %logistic3A = arith.negf %add3A_9 : vector<64x128xf32>
    %logistic3A_10 = math.exp %logistic3A : vector<64x128xf32>
    %logistic3A_11 = arith.constant 1.000000e+00 : f32
    %logistic3A_12 = vector.broadcast %logistic3A_11 : f32 to vector<64x128xf32>
    %logistic3A_13 = arith.addf %logistic3A_12, %logistic3A_10 : vector<64x128xf32>
    %logistic3A_14 = arith.divf %logistic3A_12, %logistic3A_13 : vector<64x128xf32>
    %mul3A = arith.mulf %add3A_9, %logistic3A_14 : vector<64x128xf32>
    %get3A_15 = arith.constant 0 : index
    %get3A_16 = arith.constant 0 : index
    %get3A_17 = vector.load %arg3[%get3A_15, %get3A_16] : memref<128x1xf32, #tpu.memory_space<vmem>>, vector<128x1xf32>
    %dot_general3A_18 = arith.constant dense<0.000000e+00> : vector<64x1xf32>
    %dot_general3A_19 = tpu.matmul %mul3A, %get3A_17, %dot_general3A_18 {dimension_numbers = #tpu.dot_dimension_numbers<[1], [0], [0], [1], [0, 0, 1, 1], [], []>, transpose_lhs_hint = false} : vector<64x128xf32>, vector<128x1xf32>, vector<64x1xf32> -> vector<64x1xf32>
    %get3A_20 = arith.constant 0 : index
    %get3A_21 = arith.constant 0 : index
    %get3A_22 = vector.load %arg4[%get3A_20, %get3A_21] : memref<1x1xf32, #tpu.memory_space<vmem>>, vector<1x1xf32>
    %add3A_23 = vector.broadcast %get3A_22 : vector<1x1xf32> to vector<64x1xf32>
    %add3A_24 = arith.addf %dot_general3A_19, %add3A_23 : vector<64x1xf32>
    %swap3A = arith.constant 0 : index
    %swap3A_25 = arith.constant 0 : index
    %swap3A_26 = vector.load %arg5[%swap3A, %swap3A_25] : memref<64x1xf32, #tpu.memory_space<vmem>>, vector<64x1xf32>
    tpu.vector_store %arg5[%swap3A, %swap3A_25], %add3A_24 {strides = array<i32>} : memref<64x1xf32, #tpu.memory_space<vmem>>, vector<64x1xf32>,
    return
  }
}

</mosaic_0001>

<sc_bundles>
// kernel: kernel.7.cloned.1.call-start
scs
__scs_entry_jumppad:
0x0: {  	(pc) =	sbr.rel $0x88, $3  }
0x1: {  	(tag) =	ssettag $0x0;
	lr =	simm.s32 $0x1  }
0x2: {  	[smem:$0x3F8C] =	sst lr;
	_ =	strace $0xD0000000  }
0x3: {  	_ = 	snop  }
0x4: {  	_ = 	snop  }
0x5: {  	_ = 	snop  }
0x6: {  	_ = 	snop  }
0x7: {  	_ = 	snop  }
__scs_overlays_trampoline_lowered:
0x8: {  	[smem:$0x3F9B] =	sst s0  }
0x9: {  	[smem:$0x3F9C] =	sst s1  }
0xa: {  	[smem:$0x3F9D] =	sst s2  }
0xb: {  	[smem:$0x3F9E] =	sst s3  }
0xc: {  	[smem:$0x3F9F] =	sst s4  }
0xd: {  	[smem:$0x3FA0] =	sst s5  }
0xe: {  	[smem:$0x3FA1] =	sst s6  }
0xf: {  	[smem:$0x3FA2] =	sst s7  }
0x10: {  	[smem:$0x3FA3] =	sst s8  }
0x11: {  	[smem:$0x3FA4] =	sst s9;
	s0 =	simm.s32 @!p0 $0x0  }
0x12: {  	s1 =	sld [smem:$0x3F8A];
	s0 =	simm.s32 @p0 $0x1  }
0x13: {  	[smem:$0x3FA5] =	sst s0;
	s0 =	simm.s32 @!p1 $0x0  }
0x14: {  	s2 =	sld [smem:$0x3F89];
	s0 =	simm.s32 @p1 $0x1  }
0x15: {  	[smem:$0x3FA6] =	sst s0;
	s0 =	simm.s32 @!p2 $0x0  }
0x16: {  	s3 =	sld [smem:$0x3FDB];
	s0 =	simm.s32 @p2 $0x1  }
0x17: {  	s4 =	simm.s32 $0x1BF5;
	[smem:$0x3FA8] =	sst s0  }
0x18: {  	s0 =	sld [smem:$0x3F8B];
	_ =	swait.ge [sflag:s4], $0x0  }
0x19: {  	s7 =	sld [smem:$0x3F8C]  }
0x1a: {  	s8 =	sadd.s32 $0xFFFFE003, lr  }
0x1b: {  	s9 =	sadd.s32 $0xFFFFFEF7, lr;
	s5 =	simm.s32 $0xFFFFFFFF;
	p2 =	slt.u32 s8, $0xFFFFF086  }
0x1c: {  	p1 =	slt.u32 s9, $0xF7A;
	s5 =	simm.s32 @!p2 $0x0  }
0x1d: {  	s5 =	simm.s32 @p1 $0x1;
	p0 =	seq.s32 s7, s2  }
0x1e: {  	s7 =	smul.u32 @!p0 $0xF7A, s2;
	p2 =	seq.s32 @!p0 s5, $0x0  }
0x1f: {  	s9 =	smul.u32 $0xF7A, s1;
	s8 =	simm.s32 @!p0 $0x1BF5;
	p2 =	por !p2, p0  }
0x20: {  	[sflag:s8] =	ssyncset.s32 @!p0 $0xFFFFF086;
	s6 =	sadd.s32 @!p0 s3, s7;
	s7 =	simm.s32 @!p0 $0x108  }
0x21: {  	s3 =	sadd.s32 s3, s9;
	s6 =	sadd.s32 @!p0 $0x88, s6;
	s7 =	simm.s32 @p2 $0x1082  }
0x22: {  	[simem:s7], [sflag:s8] =	dma.local @!p0 [hbm:s6], $0xF7A  }
0x23: {  	s9 =	sor.u32 $0xD0000000, s2;
	s6 =	simm.s32 $0x108;
	_ =	swait.ge @!p0 [sflag:s8], $0x0  }
0x24: {  	s3 =	sadd.s32 $0x88, s3;
	s6 =	simm.s32 @!p1 $0x1082;
	[sflag:s4] =	ssyncset.s32 $0xFFFFF086  }
0x25: {  	[simem:s6], [sflag:s4] =	dma.local [hbm:s3], $0xF7A  }
0x26: {  	[smem:$0x3F8C] =	sst s1;
	(tag) =	ssettag s2;
	_ =	strace s9  }
0x27: {  	s1 =	sld [smem:$0x3F9C]  }
0x28: {  	s2 =	sld [smem:$0x3F9D]  }
0x29: {  	s4 =	sld [smem:$0x3F9F]  }
0x2a: {  	p0 =	seq.s32 s5, $0x0;
	s5 =	sld [smem:$0x3FA0]  }
0x2b: {  	s6 =	sld [smem:$0x3FA1]  }
0x2c: {  	s7 =	sld [smem:$0x3FA2]  }
0x2d: {  	s3 =	simm.s32 $0x108;
	s8 =	sld [smem:$0x3FA3]  }
0x2e: {  	s3 =	simm.s32 @!p0 $0x1082;
	s9 =	sld [smem:$0x3FA4]  }
0x2f: {  	lr =	sadd.s32 s0, s3;
	s0 =	sld [smem:$0x3F9B]  }
0x30: {  	s3 =	sld [smem:$0x3F9E]  }
0x31: {  	[smem:$0x3FA7] =	sst s10  }
0x32: {  	s10 =	sld [smem:$0x3FA5];
	_ =	sdelay $0x3  }
0x33: {  	p0 =	seq.s32 s10, $0x1;
	s10 =	sld [smem:$0x3FA7];
	_ =	sdelay $0x3  }
0x34: {  	[smem:$0x3FA7] =	sst s10  }
0x35: {  	s10 =	sld [smem:$0x3FA6];
	_ =	sdelay $0x3  }
0x36: {  	p1 =	seq.s32 s10, $0x1;
	s10 =	sld [smem:$0x3FA7];
	_ =	sdelay $0x3  }
0x37: {  	[smem:$0x3FA7] =	sst s10  }
0x38: {  	s10 =	sld [smem:$0x3FA8]  }
0x39: {  	_ = 	snop;
	(pc) =	sbr.ind lr, $3  }
0x3a: {  	_ = 	snop  }
0x3b: {  	_ = 	snop  }
0x3c: {  	p2 =	seq.s32 s10, $0x1;
	s10 =	sld [smem:$0x3FA7]  }
0x3d: {  	_ =	shalt  }
0x3e: {  	_ =	shalt  }
0x3f: {  	_ =	shalt  }
0x40: {  	_ =	shalt  }
0x41: {  	_ =	shalt  }
0x42: {  	_ =	shalt  }
0x43: {  	_ =	shalt  }
0x44: {  	_ =	shalt  }
0x45: {  	_ =	shalt  }
0x46: {  	_ =	shalt  }
0x47: {  	_ =	shalt  }
0x48: {  	_ =	shalt  }
0x49: {  	_ =	shalt  }
0x4a: {  	_ =	shalt  }
0x4b: {  	_ =	shalt  }
0x4c: {  	_ =	shalt  }
0x4d: {  	_ =	shalt  }
0x4e: {  	_ =	shalt  }
0x4f: {  	_ =	shalt  }
0x50: {  	_ =	shalt  }
0x51: {  	_ =	shalt  }
0x52: {  	_ =	shalt  }
0x53: {  	_ =	shalt  }
0x54: {  	_ =	shalt  }
0x55: {  	_ =	shalt  }
0x56: {  	_ =	shalt  }
0x57: {  	_ =	shalt  }
0x58: {  	_ =	shalt  }
0x59: {  	_ =	shalt  }
0x5a: {  	_ =	shalt  }
0x5b: {  	_ =	shalt  }
0x5c: {  	_ =	shalt  }
0x5d: {  	_ =	shalt  }
0x5e: {  	_ =	shalt  }
0x5f: {  	_ =	shalt  }
0x60: {  	_ =	shalt  }
0x61: {  	_ =	shalt  }
0x62: {  	_ =	shalt  }
0x63: {  	_ =	shalt  }
0x64: {  	_ =	shalt  }
0x65: {  	_ =	shalt  }
0x66: {  	_ =	shalt  }
0x67: {  	_ =	shalt  }
0x68: {  	_ =	shalt  }
0x69: {  	_ =	shalt  }
0x6a: {  	_ =	shalt  }
0x6b: {  	_ =	shalt  }
0x6c: {  	_ =	shalt  }
0x6d: {  	_ =	shalt  }
0x6e: {  	_ =	shalt  }
0x6f: {  	_ =	shalt  }
0x70: {  	_ =	shalt  }
0x71: {  	_ =	shalt  }
0x72: {  	_ =	shalt  }
0x73: {  	_ =	shalt  }
0x74: {  	_ =	shalt  }
0x75: {  	_ =	shalt  }
0x76: {  	_ =	shalt  }
0x77: {  	_ =	shalt  }
0x78: {  	_ =	shalt  }
0x79: {  	_ =	shalt  }
0x7a: {  	_ =	shalt  }
0x7b: {  	_ =	shalt  }
0x7c: {  	_ =	shalt  }
0x7d: {  	_ =	shalt  }
0x7e: {  	_ =	shalt  }
0x7f: {  	_ =	shalt  }
0x80: {  	_ =	shalt  }
0x81: {  	_ =	shalt  }
0x82: {  	_ =	shalt  }
0x83: {  	_ =	shalt  }
0x84: {  	_ =	shalt  }
0x85: {  	_ =	shalt  }
0x86: {  	_ =	shalt  }
0x87: {  	_ =	shalt  }
.Lfunc_end0:
.L_simem_size_0:
called_computation_lowered:
.L_overlay_start_0:
0x88: {  	s2 =	sld [smem:$0x3FD9]  }
0x89: {  	s3 =	sld [smem:$0x3FFE];
	_ =	sdelay $0x1  }
0x8a: {  	s1 =	srdreg.scid  }
0x8b: {  	s0 =	sand.u32 $0x1, s1  }
0x8c: {  	s16 =	sshll.u32 s0, $0xA;
	s2 =	sadd.s32 s3, s2  }
0x8d: {  	s2 =	sadd.s32 s2, s16  }
0x8e: {  	[smem:$0x3FB3] =	sst s2  }
0x8f: {  	_ = 	snop  }
0x90: {  	(tm) =	ssettm $0x1  }
0x91: {  	s17 =	sld [smem:$0x3FFB];
	_ =	sdelay $0x3  }
0x92: {  	_ =	strace s17  }
0x93: {  	s2 =	sld [smem:$0x3FFC];
	_ =	sdelay $0x3  }
0x94: {  	_ =	strace s2  }
0x95: {  	s2 =	sld [smem:$0x3FFD];
	_ =	sdelay $0x3  }
0x96: {  	_ =	strace s2  }
0x97: {  	_ =	strace $0x8FFFFFFF  }
0x98: {  	s18 =	sld [smem:$0x3FDB];
	_ =	sdelay $0x1  }
0x99: {  	s19 =	simm.s32 $_scs_section_size  }
0x9a: {  	s4 =	simm.s32 $_size__tile_overlayer_lowered;
	s5 =	simm.s32 $_tile_overlayer_lowered  }
0x9b: {  	s22 =	simm.s32 $0x1BFF;
	s21 =	sshll.u32 s5, $0x1;
	s2 =	sadd.s32 s19, s18  }
0x9c: {  	s6 =	simm.s32 $0x0;
	s20 =	sshll.u32 s4, $0x1;
	s4 =	sadd.s32 s21, s2  }
0x9d: {  	[timem:s6], [sflag:s22] =	dma.local [hbm:s4], s20  }
0x9e: {  	_ =	swait.ge [sflag:s22], s20  }
0x9f: {  	s3 =	ssub.s32 $0x0, s20;
	[sflag:s22] =	ssyncset.done $0x0  }
0xa0: {  	[sflag:s22] =	ssyncadd.s32 s3;
	_ =	sdelay $0x1  }
0xa1: {  	s23 =	simm.s32 $0x1B8B  }
0xa2: {  	_ =	swait.ge [sflag:s23], $0x1  }
0xa3: {  	[sflag:s23] =	ssyncset.done $0x0  }
0xa4: {  	s25 =	simm.s32 $0x1B8E;
	s24 =	sld [smem:$0x3FFE];
	[sflag:s23] =	ssyncadd.s32 $0xFFFFFFFF  }
0xa5: {  	s26 =	simm.s32 $execute0_lowered;
	[smem:$0x3FD2] =	sst s25  }
0xa6: {  	s4 =	sshll.u32 s26, $0x1;
	_ =	strace $0x80000046;
	[dreg:$0x1] =	wrdreg $0xFFFFFFFF  }
0xa7: {  	s28 =	simm.s32 $_size_execute0_lowered;
	s2 =	sadd.s32 s2, s4;
	[dreg:$0x0] =	wrdreg $0x0  }
0xa8: {  	s4 =	sshll.u32 s28, $0x1;
	[dreg:$0x2] =	wrdreg s2  }
0xa9: {  	[dreg:$0x3] =	wrdreg s4  }
0xaa: {  	[dreg:$0x4] =	wrdreg $0xC0  }
0xab: {  	_ =	task [dreg:s6], $0x5FFFF  }
0xac: {  	[dreg:$0x1] =	wrdreg $0xFFFFFFFF  }
0xad: {  	[dreg:$0x0] =	wrdreg $0x60  }
0xae: {  	[dreg:$0x2] =	wrdreg s24  }
0xaf: {  	[dreg:$0x3] =	wrdreg $0x0  }
0xb0: {  	[dreg:$0x4] =	wrdreg $0x9  }
0xb1: {  	_ =	task.clear_ibuf [dreg:s6], $0x5FFFF;
	_ =	strace $0x90000046  }
0xb2: {  	s29 =	simm.s32 $0x9;
	_ =	strace $0x80000048  }
0xb3: {  	_ =	swait.ge [sflag:s29], $0x1  }
0xb4: {  	[sflag:s29] =	ssyncadd.s32 $0xFFFFFFFF  }
0xb5: {  	_ =	strace $0x90000048  }
0xb6: {  	_ =	sfence  }
0xb7: {  	s30 =	sld [smem:$0x0];
	_ =	sdelay $0x2  }
0xb8: {  	s31 =	sshll.u32 s1, $0xD;
	s1 =	sshrl.u32 s1, $0x2  }
0xb9: {  	s3 =	sand.u32 $0x4000, s31;
	s1 =	sadd.s32 s1, s30  }
0xba: {  	s0 =	sor.u32 s3, s0;
	s1 =	sshll.u32 s1, $0x11  }
0xbb: {  	s0 =	sor.u32 s1, s0  }
0xbc: {  	s0 =	sadd.s32 $0x8F2B, s0  }
0xbd: {  	[sflag:s0] =	ssyncadd.remote.s32 $0x1  }
0xbe: {  	_ =	sfence.sel $0xFFFF  }
0xbf: {  	[dreg:$0x0] =	wrdreg $0xFFFFFFFF;
	(pc) =	sbr.abs _section_cstart, $3  }
0xc0: {  	[dreg:$0x1] =	wrdreg $0xFFFFFFFF  }
0xc1: {  	_ =	task.clear_ibuf [dreg:s6], $0x2FFFF;
	_ =	strace $0x9FFFFFFF  }
0xc2: {  	(tm) =	ssettm $0x7FFFFFFF  }
0xc3: {  	_ =	shalt  }
tec
execute0_lowered:
.L_overlay_start_1:
0x0: {  	(tag) =	ssettag $0x1  }
0x1: {  	s0 =	srdreg.scid;
	s4 =	rddreg [dreg:$0x0]  }
0x2: {  	s2 =	rddreg [dreg:$0x1];
	s5 =	sand.u32 $0x1, s0  }
0x3: {  	s0 =	stileid.u32;
	s6 =	smul.u32 $0x27100, s5  }
0x4: {  	s1 =	rddreg [dreg:$0x2];
	s7 =	smul.u32 $0x2710, s0  }
0x5: {  	s3 =	simm.s32 $0x0;
	s17 =	simm.s32 $0x1;
	s8 =	smul.u32 $0x271000, s5  }
0x6: {  	s18 =	simm.s32 $0x13C00;
	s19 =	simm.s32 $0x13C80;
	s25 =	smul.u32 $0x13C00, s0  }
0x7: {  	s20 =	simm.s32 $0x50;
	[smem:$0x7FF] =	sst s3;
	s9 =	smul.u32 $0x13C000, s5  }
0x8: {  	s21 =	simm.s32 $0x0;
	_ =	strace $0x80000047;
	s28 =	smul.u32 $0x4F000, s0  }
0x9: {  	s5 =	ssub.s32 $0x2, s5;
	s31 =	smul.u32 $0x27100, s0;
	s12 =	sshll.u32 s0, $0x6  }
0xa: {  	s29 =	sshrl.u32 s5, $0x1;
	s6 =	sadd.s32 s7, s6;
	s8 =	sadd.s32 s8, s4  }
0xb: {  	s26 =	sshrl.u32 s25, $0x3;
	s7 =	sadd.s32 s25, s9;
	s13 =	ssub.s32 s5, s29  }
0xc: {  	s30 =	sshrl.u32 s28, $0x2;
	s6 =	sshrl.u32 s6, $0x3;
	s7 =	sshrl.u32 s7, $0x3  }
0xd: {  	s15 =	sadd.s32 s31, s8;
	s11 =	sadd.s32 s6, s4;
	s6 =	sadd.s32 s26, s4  }
0xe: {  	s10 =	sadd.s32 s7, s4;
	s9 =	sadd.s32 $0x9F9A00, s15;
	s14 =	sadd.s32 $0x13BDA00, s15  }
0xf: {  	s16 =	sadd.s32 s30, s2;
	s4 =	sadd.s32 $0x517A00, s6;
	s5 =	sadd.s32 $0x53F200, s10  }
0x10: {  	s13 =	smax.u32 s13, $0x1;
	s6 =	sadd.s32 $0x58E200, s10;
	s7 =	sadd.s32 $0x5DD200, s10  }
0x11: {  	s8 =	sadd.s32 $0x62C200, s10;
	s10 =	sor.u32 $0x1C01, s12;
	s11 =	sadd.s32 $0x3200, s11  }
0x12: {  	s16 =	sshrl.u32 s16, $0x3;
	s12 =	sadd.s32 $0xEDBA00, s15;
	s15 =	sadd.s32 $0x189FA00, s15  }
.LBB2_1:
0x13: {  	[spmem:s16], [sflag:s10] =	dma.local [hbm:s4], $0x2780  }
0x14: {  	_ =	swait.ge [sflag:s17], $0x2780  }
0x15: {  	[sflag:s17] =	ssyncset.done $0x0  }
0x16: {  	[sflag:s17] =	ssyncadd.s32 $0xFFFFD880  }
0x17: {  	s22 =	sadd.s32 $0x0, s11;
	[bflag:$0x0] =	sbarrier.arrive $0xFFFF  }
0x18: {  	[tilespmem:s18], [sflag:$0x1] =	stream.linear.gather [hbm4b:s22+s3], $0x50, $0x38;
	[tilespmem:$0x16480] =	vst v63  }
0x19: {  	_ =	swait.ge [sflag:s17], $0x50  }
0x1a: {  	[sflag:s17] =	ssyncset.done $0x0  }
0x1b: {  	[sflag:s17] =	ssyncadd.s32 $0xFFFFFFB0  }
0x1c: {  	[tilespmem:s19], [sflag:$0x1] =	stream.linear.gather [hbm4b:s9+s3], $0x2800, $0x38;
	[tilespmem:$0x16480] =	vst v63  }
0x1d: {  	_ =	swait.ge [sflag:s17], $0x2800  }
0x1e: {  	[sflag:s17] =	ssyncset.done $0x0  }
0x1f: {  	[sflag:s17] =	ssyncadd.s32 $0xFFFFD800  }
0x20: {  	[spmem:s2] =	stream.indirect.scatter.add.f32 [tilespmem:s19], [sflag:$0x1], $0x80, s18, s20, $0xb8;
	[tilespmem:$0x16480] =	vst v63  }
0x21: {  	s23 =	simm.s32 $0xA;
	_ =	swait.ge [sflag:s17], $0x2800  }
0x22: {  	s24 =	simm.s32 $0x14;
	s22 =	sadd.s32 $0x500, s9;
	[sflag:s17] =	ssyncset.done $0x0  }
.LBB2_2:
0x23: {  	s25 =	sadd.s32 s23, s11  }
0x24: {  	[sflag:s17] =	ssyncadd.s32 $0xFFFFD800;
	s23 =	smov.u32 s24;
	s26 =	sadd.s32 $0xA, s24  }
0x25: {  	[tilespmem:s18], [sflag:$0x1] =	stream.linear.gather [hbm4b:s25+s3], $0x50, $0x38;
	[tilespmem:$0x16480] =	vst v63  }
0x26: {  	p0 =	sne.s32 s24, $0x4D8;
	_ =	swait.ge [sflag:s17], $0x50  }
0x27: {  	[sflag:s17] =	ssyncset.done $0x0  }
0x28: {  	[sflag:s17] =	ssyncadd.s32 $0xFFFFFFB0  }
0x29: {  	[tilespmem:s19], [sflag:$0x1] =	stream.linear.gather [hbm4b:s22+s3], $0x2800, $0x38;
	[tilespmem:$0x16480] =	vst v63  }
0x2a: {  	_ =	swait.ge [sflag:s17], $0x2800  }
.Ltmp0:
0x2b: {  	[sflag:s17] =	ssyncset.done $0x0;
	(pc) =	sbr.rel @p0 .LBB2_2-.Ltmp0, $4  }
0x2c: {  	[sflag:s17] =	ssyncadd.s32 $0xFFFFD800  }
0x2d: {  	[spmem:s2] =	stream.indirect.scatter.add.f32 [tilespmem:s19], [sflag:$0x1], $0x80, s18, s20, $0xb8;
	[tilespmem:$0x16480] =	vst v63  }
0x2e: {  	_ =	swait.ge [sflag:s17], $0x2800  }
0x2f: {  	s24 =	smov.u32 s26;
	s22 =	sadd.s32 $0x500, s22;
	[sflag:s17] =	ssyncset.done $0x0  }
0x30: {  	s23 =	sadd.s32 s23, s11;
	[sflag:s17] =	ssyncadd.s32 $0xFFFFD800  }
0x31: {  	[tilespmem:s18], [sflag:$0x1] =	stream.linear.gather [hbm4b:s23+s3], $0x50, $0x38;
	[tilespmem:$0x16480] =	vst v63  }
0x32: {  	_ =	swait.ge [sflag:s17], $0x50  }
0x33: {  	[sflag:s17] =	ssyncset.done $0x0  }
0x34: {  	[sflag:s17] =	ssyncadd.s32 $0xFFFFFFB0  }
0x35: {  	[tilespmem:s19], [sflag:$0x1] =	stream.linear.gather [hbm4b:s22+s3], $0x2800, $0x38;
	[tilespmem:$0x16480] =	vst v63  }
0x36: {  	_ =	swait.ge [sflag:s17], $0x2800  }
0x37: {  	[sflag:s17] =	ssyncset.done $0x0  }
0x38: {  	[sflag:s17] =	ssyncadd.s32 $0xFFFFD800  }
0x39: {  	[spmem:s2] =	stream.indirect.scatter.add.f32 [tilespmem:s19], [sflag:$0x1], $0x80, s18, s20, $0xb8;
	[tilespmem:$0x16480] =	vst v63  }
0x3a: {  	_ =	swait.ge [sflag:s17], $0x2800  }
0x3b: {  	[sflag:s17] =	ssyncset.done $0x0  }
0x3c: {  	[sflag:s17] =	ssyncadd.s32 $0xFFFFD800  }
0x3d: {  	[bflag:$0x0] =	sbarrier.arrive $0xFFFF  }
0x3e: {  	[hbm:s5], [sflag:s10] =	dma.local [spmem:s16], $0x2780  }
0x3f: {  	_ =	swait.ge [sflag:s17], $0x2780  }
0x40: {  	[sflag:s17] =	ssyncset.done $0x0  }
0x41: {  	[sflag:s17] =	ssyncadd.s32 $0xFFFFD880  }
0x42: {  	[bflag:$0x0] =	sbarrier.arrive $0xFFFF  }
0x43: {  	[spmem:s16], [sflag:s10] =	dma.local [hbm:s4], $0x2780  }
0x44: {  	_ =	swait.ge [sflag:s17], $0x2780  }
0x45: {  	[sflag:s17] =	ssyncset.done $0x0  }
0x46: {  	[sflag:s17] =	ssyncadd.s32 $0xFFFFD880  }
0x47: {  	s31 =	sadd.s32 $0x0, s11;
	[bflag:$0x0] =	sbarrier.arrive $0xFFFF  }
0x48: {  	[tilespmem:s18], [sflag:$0x1] =	stream.linear.gather [hbm4b:s31+s3], $0x50, $0x38;
	[tilespmem:$0x16480] =	vst v63  }
0x49: {  	_ =	swait.ge [sflag:s17], $0x50  }
0x4a: {  	[sflag:s17] =	ssyncset.done $0x0  }
0x4b: {  	[sflag:s17] =	ssyncadd.s32 $0xFFFFFFB0  }
0x4c: {  	[tilespmem:s19], [sflag:$0x1] =	stream.linear.gather [hbm4b:s12+s3], $0x2800, $0x38;
	[tilespmem:$0x16480] =	vst v63  }
0x4d: {  	_ =	swait.ge [sflag:s17], $0x2800  }
0x4e: {  	[sflag:s17] =	ssyncset.done $0x0  }
0x4f: {  	[sflag:s17] =	ssyncadd.s32 $0xFFFFD800  }
0x50: {  	[spmem:s2] =	stream.indirect.scatter.add.f32 [tilespmem:s19], [sflag:$0x1], $0x80, s18, s20, $0xb8;
	[tilespmem:$0x16480] =	vst v63  }
0x51: {  	s24 =	simm.s32 $0x14;
	_ =	swait.ge [sflag:s17], $0x2800  }
0x52: {  	s23 =	simm.s32 $0xA;
	s22 =	sadd.s32 $0x500, s12;
	[sflag:s17] =	ssyncset.done $0x0  }
.LBB2_4:
0x53: {  	s25 =	sadd.s32 s23, s11  }
0x54: {  	[sflag:s17] =	ssyncadd.s32 $0xFFFFD800;
	s23 =	smov.u32 s24;
	s26 =	sadd.s32 $0xA, s24  }
0x55: {  	[tilespmem:s18], [sflag:$0x1] =	stream.linear.gather [hbm4b:s25+s3], $0x50, $0x38;
	[tilespmem:$0x16480] =	vst v63  }
0x56: {  	p0 =	sne.s32 s24, $0x4D8;
	_ =	swait.ge [sflag:s17], $0x50  }
0x57: {  	[sflag:s17] =	ssyncset.done $0x0  }
0x58: {  	[sflag:s17] =	ssyncadd.s32 $0xFFFFFFB0  }
0x59: {  	[tilespmem:s19], [sflag:$0x1] =	stream.linear.gather [hbm4b:s22+s3], $0x2800, $0x38;
	[tilespmem:$0x16480] =	vst v63  }
0x5a: {  	_ =	swait.ge [sflag:s17], $0x2800  }
.Ltmp1:
0x5b: {  	[sflag:s17] =	ssyncset.done $0x0;
	(pc) =	sbr.rel @p0 .LBB2_4-.Ltmp1, $4  }
0x5c: {  	[sflag:s17] =	ssyncadd.s32 $0xFFFFD800  }
0x5d: {  	[spmem:s2] =	stream.indirect.scatter.add.f32 [tilespmem:s19], [sflag:$0x1], $0x80, s18, s20, $0xb8;
	[tilespmem:$0x16480] =	vst v63  }
0x5e: {  	_ =	swait.ge [sflag:s17], $0x2800  }
0x5f: {  	s24 =	smov.u32 s26;
	s22 =	sadd.s32 $0x500, s22;
	[sflag:s17] =	ssyncset.done $0x0  }
0x60: {  	s23 =	sadd.s32 s23, s11;
	[sflag:s17] =	ssyncadd.s32 $0xFFFFD800  }
0x61: {  	[tilespmem:s18], [sflag:$0x1] =	stream.linear.gather [hbm4b:s23+s3], $0x50, $0x38;
	[tilespmem:$0x16480] =	vst v63  }
0x62: {  	_ =	swait.ge [sflag:s17], $0x50  }
0x63: {  	[sflag:s17] =	ssyncset.done $0x0  }
0x64: {  	[sflag:s17] =	ssyncadd.s32 $0xFFFFFFB0  }
0x65: {  	[tilespmem:s19], [sflag:$0x1] =	stream.linear.gather [hbm4b:s22+s3], $0x2800, $0x38;
	[tilespmem:$0x16480] =	vst v63  }
0x66: {  	_ =	swait.ge [sflag:s17], $0x2800  }
0x67: {  	[sflag:s17] =	ssyncset.done $0x0  }
0x68: {  	[sflag:s17] =	ssyncadd.s32 $0xFFFFD800  }
0x69: {  	[spmem:s2] =	stream.indirect.scatter.add.f32 [tilespmem:s19], [sflag:$0x1], $0x80, s18, s20, $0xb8;
	[tilespmem:$0x16480] =	vst v63  }
0x6a: {  	_ =	swait.ge [sflag:s17], $0x2800  }
0x6b: {  	[sflag:s17] =	ssyncset.done $0x0  }
0x6c: {  	[sflag:s17] =	ssyncadd.s32 $0xFFFFD800  }
0x6d: {  	[bflag:$0x0] =	sbarrier.arrive $0xFFFF  }
0x6e: {  	[hbm:s6], [sflag:s10] =	dma.local [spmem:s16], $0x2780  }
0x6f: {  	_ =	swait.ge [sflag:s17], $0x2780  }
0x70: {  	[sflag:s17] =	ssyncset.done $0x0  }
0x71: {  	[sflag:s17] =	ssyncadd.s32 $0xFFFFD880  }
0x72: {  	[bflag:$0x0] =	sbarrier.arrive $0xFFFF  }
0x73: {  	[spmem:s16], [sflag:s10] =	dma.local [hbm:s4], $0x2780  }
0x74: {  	_ =	swait.ge [sflag:s17], $0x2780  }
0x75: {  	[sflag:s17] =	ssyncset.done $0x0  }
0x76: {  	[sflag:s17] =	ssyncadd.s32 $0xFFFFD880  }
0x77: {  	s31 =	sadd.s32 $0x0, s11;
	[bflag:$0x0] =	sbarrier.arrive $0xFFFF  }
0x78: {  	[tilespmem:s18], [sflag:$0x1] =	stream.linear.gather [hbm4b:s31+s3], $0x50, $0x38;
	[tilespmem:$0x16480] =	vst v63  }
0x79: {  	_ =	swait.ge [sflag:s17], $0x50  }
0x7a: {  	[sflag:s17] =	ssyncset.done $0x0  }
0x7b: {  	[sflag:s17] =	ssyncadd.s32 $0xFFFFFFB0  }
0x7c: {  	[tilespmem:s19], [sflag:$0x1] =	stream.linear.gather [hbm4b:s14+s3], $0x2800, $0x38;
	[tilespmem:$0x16480] =	vst v63  }
0x7d: {  	_ =	swait.ge [sflag:s17], $0x2800  }
0x7e: {  	[sflag:s17] =	ssyncset.done $0x0  }
0x7f: {  	[sflag:s17] =	ssyncadd.s32 $0xFFFFD800  }
0x80: {  	[spmem:s2] =	stream.indirect.scatter.add.f32 [tilespmem:s19], [sflag:$0x1], $0x80, s18, s20, $0xb8;
	[tilespmem:$0x16480] =	vst v63  }
0x81: {  	s24 =	simm.s32 $0x14;
	_ =	swait.ge [sflag:s17], $0x2800  }
0x82: {  	s23 =	simm.s32 $0xA;
	s22 =	sadd.s32 $0x500, s14;
	[sflag:s17] =	ssyncset.done $0x0  }
.LBB2_6:
0x83: {  	s25 =	sadd.s32 s23, s11  }
0x84: {  	[sflag:s17] =	ssyncadd.s32 $0xFFFFD800;
	s23 =	smov.u32 s24;
	s26 =	sadd.s32 $0xA, s24  }
0x85: {  	[tilespmem:s18], [sflag:$0x1] =	stream.linear.gather [hbm4b:s25+s3], $0x50, $0x38;
	[tilespmem:$0x16480] =	vst v63  }
0x86: {  	p0 =	sne.s32 s24, $0x4D8;
	_ =	swait.ge [sflag:s17], $0x50  }
0x87: {  	[sflag:s17] =	ssyncset.done $0x0  }
0x88: {  	[sflag:s17] =	ssyncadd.s32 $0xFFFFFFB0  }
0x89: {  	[tilespmem:s19], [sflag:$0x1] =	stream.linear.gather [hbm4b:s22+s3], $0x2800, $0x38;
	[tilespmem:$0x16480] =	vst v63  }
0x8a: {  	_ =	swait.ge [sflag:s17], $0x2800  }
.Ltmp2:
0x8b: {  	[sflag:s17] =	ssyncset.done $0x0;
	(pc) =	sbr.rel @p0 .LBB2_6-.Ltmp2, $4  }
0x8c: {  	[sflag:s17] =	ssyncadd.s32 $0xFFFFD800  }
0x8d: {  	[spmem:s2] =	stream.indirect.scatter.add.f32 [tilespmem:s19], [sflag:$0x1], $0x80, s18, s20, $0xb8;
	[tilespmem:$0x16480] =	vst v63  }
0x8e: {  	_ =	swait.ge [sflag:s17], $0x2800  }
0x8f: {  	s24 =	smov.u32 s26;
	s22 =	sadd.s32 $0x500, s22;
	[sflag:s17] =	ssyncset.done $0x0  }
0x90: {  	s23 =	sadd.s32 s23, s11;
	[sflag:s17] =	ssyncadd.s32 $0xFFFFD800  }
0x91: {  	[tilespmem:s18], [sflag:$0x1] =	stream.linear.gather [hbm4b:s23+s3], $0x50, $0x38;
	[tilespmem:$0x16480] =	vst v63  }
0x92: {  	_ =	swait.ge [sflag:s17], $0x50  }
0x93: {  	[sflag:s17] =	ssyncset.done $0x0  }
0x94: {  	[sflag:s17] =	ssyncadd.s32 $0xFFFFFFB0  }
0x95: {  	[tilespmem:s19], [sflag:$0x1] =	stream.linear.gather [hbm4b:s22+s3], $0x2800, $0x38;
	[tilespmem:$0x16480] =	vst v63  }
0x96: {  	_ =	swait.ge [sflag:s17], $0x2800  }
0x97: {  	[sflag:s17] =	ssyncset.done $0x0  }
0x98: {  	[sflag:s17] =	ssyncadd.s32 $0xFFFFD800  }
0x99: {  	[spmem:s2] =	stream.indirect.scatter.add.f32 [tilespmem:s19], [sflag:$0x1], $0x80, s18, s20, $0xb8;
	[tilespmem:$0x16480] =	vst v63  }
0x9a: {  	_ =	swait.ge [sflag:s17], $0x2800  }
0x9b: {  	[sflag:s17] =	ssyncset.done $0x0  }
0x9c: {  	[sflag:s17] =	ssyncadd.s32 $0xFFFFD800  }
0x9d: {  	[bflag:$0x0] =	sbarrier.arrive $0xFFFF  }
0x9e: {  	[hbm:s7], [sflag:s10] =	dma.local [spmem:s16], $0x2780  }
0x9f: {  	_ =	swait.ge [sflag:s17], $0x2780  }
0xa0: {  	[sflag:s17] =	ssyncset.done $0x0  }
0xa1: {  	[sflag:s17] =	ssyncadd.s32 $0xFFFFD880  }
0xa2: {  	[bflag:$0x0] =	sbarrier.arrive $0xFFFF  }
0xa3: {  	[spmem:s16], [sflag:s10] =	dma.local [hbm:s4], $0x2780  }
0xa4: {  	_ =	swait.ge [sflag:s17], $0x2780  }
0xa5: {  	[sflag:s17] =	ssyncset.done $0x0  }
0xa6: {  	[sflag:s17] =	ssyncadd.s32 $0xFFFFD880  }
0xa7: {  	s31 =	sadd.s32 $0x0, s11;
	[bflag:$0x0] =	sbarrier.arrive $0xFFFF  }
0xa8: {  	[tilespmem:s18], [sflag:$0x1] =	stream.linear.gather [hbm4b:s31+s3], $0x50, $0x38;
	[tilespmem:$0x16480] =	vst v63  }
0xa9: {  	_ =	swait.ge [sflag:s17], $0x50  }
0xaa: {  	[sflag:s17] =	ssyncset.done $0x0  }
0xab: {  	[sflag:s17] =	ssyncadd.s32 $0xFFFFFFB0  }
0xac: {  	[tilespmem:s19], [sflag:$0x1] =	stream.linear.gather [hbm4b:s15+s3], $0x2800, $0x38;
	[tilespmem:$0x16480] =	vst v63  }
0xad: {  	_ =	swait.ge [sflag:s17], $0x2800  }
0xae: {  	[sflag:s17] =	ssyncset.done $0x0  }
0xaf: {  	[sflag:s17] =	ssyncadd.s32 $0xFFFFD800  }
0xb0: {  	[spmem:s2] =	stream.indirect.scatter.add.f32 [tilespmem:s19], [sflag:$0x1], $0x80, s18, s20, $0xb8;
	[tilespmem:$0x16480] =	vst v63  }
0xb1: {  	s24 =	simm.s32 $0x14;
	_ =	swait.ge [sflag:s17], $0x2800  }
0xb2: {  	s23 =	simm.s32 $0xA;
	s22 =	sadd.s32 $0x500, s15;
	[sflag:s17] =	ssyncset.done $0x0  }
.LBB2_8:
0xb3: {  	s25 =	sadd.s32 s23, s11  }
0xb4: {  	[sflag:s17] =	ssyncadd.s32 $0xFFFFD800;
	s23 =	smov.u32 s24;
	s26 =	sadd.s32 $0xA, s24  }
0xb5: {  	[tilespmem:s18], [sflag:$0x1] =	stream.linear.gather [hbm4b:s25+s3], $0x50, $0x38;
	[tilespmem:$0x16480] =	vst v63  }
0xb6: {  	p0 =	sne.s32 s24, $0x4D8;
	_ =	swait.ge [sflag:s17], $0x50  }
0xb7: {  	[sflag:s17] =	ssyncset.done $0x0  }
0xb8: {  	[sflag:s17] =	ssyncadd.s32 $0xFFFFFFB0  }
0xb9: {  	[tilespmem:s19], [sflag:$0x1] =	stream.linear.gather [hbm4b:s22+s3], $0x2800, $0x38;
	[tilespmem:$0x16480] =	vst v63  }
0xba: {  	_ =	swait.ge [sflag:s17], $0x2800  }
.Ltmp3:
0xbb: {  	[sflag:s17] =	ssyncset.done $0x0;
	(pc) =	sbr.rel @p0 .LBB2_8-.Ltmp3, $4  }
0xbc: {  	[sflag:s17] =	ssyncadd.s32 $0xFFFFD800  }
0xbd: {  	[spmem:s2] =	stream.indirect.scatter.add.f32 [tilespmem:s19], [sflag:$0x1], $0x80, s18, s20, $0xb8;
	[tilespmem:$0x16480] =	vst v63  }
0xbe: {  	_ =	swait.ge [sflag:s17], $0x2800  }
0xbf: {  	s24 =	smov.u32 s26;
	s22 =	sadd.s32 $0x500, s22;
	[sflag:s17] =	ssyncset.done $0x0  }
0xc0: {  	s23 =	sadd.s32 s23, s11;
	[sflag:s17] =	ssyncadd.s32 $0xFFFFD800  }
0xc1: {  	[tilespmem:s18], [sflag:$0x1] =	stream.linear.gather [hbm4b:s23+s3], $0x50, $0x38;
	[tilespmem:$0x16480] =	vst v63  }
0xc2: {  	_ =	swait.ge [sflag:s17], $0x50  }
0xc3: {  	[sflag:s17] =	ssyncset.done $0x0  }
0xc4: {  	[sflag:s17] =	ssyncadd.s32 $0xFFFFFFB0  }
0xc5: {  	[tilespmem:s19], [sflag:$0x1] =	stream.linear.gather [hbm4b:s22+s3], $0x2800, $0x38;
	[tilespmem:$0x16480] =	vst v63  }
0xc6: {  	_ =	swait.ge [sflag:s17], $0x2800  }
0xc7: {  	[sflag:s17] =	ssyncset.done $0x0  }
0xc8: {  	[sflag:s17] =	ssyncadd.s32 $0xFFFFD800  }
0xc9: {  	[spmem:s2] =	stream.indirect.scatter.add.f32 [tilespmem:s19], [sflag:$0x1], $0x80, s18, s20, $0xb8;
	[tilespmem:$0x16480] =	vst v63  }
0xca: {  	_ =	swait.ge [sflag:s17], $0x2800  }
0xcb: {  	[sflag:s17] =	ssyncset.done $0x0  }
0xcc: {  	s21 =	sadd.s32 $0x1, s21;
	[sflag:s17] =	ssyncadd.s32 $0xFFFFD800  }
0xcd: {  	p0 =	sne.s32 s21, s13;
	[bflag:$0x0] =	sbarrier.arrive $0xFFFF  }
0xce: {  	[hbm:s8], [sflag:s10] =	dma.local [spmem:s16], $0x2780  }
.Ltmp4:
0xcf: {  	_ =	swait.ge [sflag:s17], $0x2780;
	(pc) =	sbr.rel @p0 .LBB2_1-.Ltmp4, $3  }
0xd0: {  	[sflag:s17] =	ssyncset.done $0x0  }
0xd1: {  	[sflag:s17] =	ssyncadd.s32 $0xFFFFD880  }
0xd2: {  	[bflag:$0x0] =	sbarrier.arrive $0xFFFF;
	_ =	sdelay $0x1  }
0xd3: {  	_ =	sfence.sel $0x180000  }
0xd4: {  	[bflag:$0x0] =	sbarrier.arrive $0xFFFF  }
0xd5: {  	p0 =	sne.s32 s0, $0x0;
	_ =	strace $0x90000047  }
0xd6: {  	s0 =	sadd.s32 @!p0 $0x100000, s1;
	[bflag:$0x2] =	sbarrier.arrive $0xFFFF  }
0xd7: {  	[sflag:s0] =	ssyncadd.tile.s32 @!p0 $0x1;
	_ =	shalt  }
.Lfunc_end2:
_tile_overlayer_lowered:
.L_overlay_start_2:
0xd8: {  	(tag) =	ssettag $0x2  }
0xd9: {  	s0 =	rddreg [dreg:$0x0];
	s2 =	stileid.u32  }
0xda: {  	s1 =	rddreg [dreg:$0x1];
	p0 =	sne.s32 s2, $0x0  }
0xdb: {  	s3 =	rddreg [dreg:$0x2];
	[bflag:$0x3] =	sbarrier.arrive $0xFFFF;
	s2 =	simm.s32 @!p0 $0x1C01  }
0xdc: {  	[timem:s3], [sflag:s2] =	dma.local @!p0 [hbm:s0], s1  }
0xdd: {  	s0 =	simm.s32 @!p0 $0x1  }
0xde: {  	_ =	swait.ge @!p0 [sflag:s0], s1  }
0xdf: {  	s1 =	ssub.s32 @!p0 $0x0, s1;
	[sflag:s0] =	ssyncset.done @!p0 $0x0  }
0xe0: {  	[sflag:s0] =	ssyncadd.s32 @!p0 s1  }
0xe1: {  	[bflag:$0x3] =	sbarrier.arrive $0xFFFF  }
0xe2: {  	_ =	shalt  }

</sc_bundles>
